<compile_context>
chip_gen: v7x
topology: tpu7x:2x2x1
jax: 0.10.2.dev20260603
libtpu: 0.0.44.dev20260713+nightly
codegen_flags: <defaults>
</compile_context>

<pallas_src>
import functools

import jax
import jax.numpy as jnp
from jax import lax
from jax.experimental import pallas as pl
from jax.experimental.pallas import tpu as pltpu
from jax.experimental.pallas import tpu_sc as plsc

N = 10000
E = 320000
D = 128
H = 128

NC = 2
NS = 16
NW = NC * NS
CHUNK = 128
NCHUNKS = E // CHUNK
KMAX = -(-NCHUNKS // NW)
DEGW = 16
NP = 10240
ZROWS = NP // NS
L = 16

_MESH = plsc.VectorSubcoreMesh(core_axis_name="c", subcore_axis_name="s")


@functools.partial(
    pl.kernel,
    out_type=(
        jax.ShapeDtypeStruct((NC, NP, D), jnp.float32),
        jax.ShapeDtypeStruct((NC * NP,), jnp.float32),
    ),
    mesh=_MESH,
    scratch_types=[
        pltpu.VMEM((CHUNK, D), jnp.float32),
        pltpu.VMEM((CHUNK,), jnp.int32),
        pltpu.VMEM((CHUNK,), jnp.int32),
        pltpu.VMEM((CHUNK,), jnp.float32),
        pltpu.VMEM_SHARED((NP, D), jnp.float32),
        pltpu.VMEM_SHARED((NP,), jnp.float32),
    ],
)
def _sc_scatter(ef_hbm, dst_hbm, src_hbm, zrows_hbm, zdeg_hbm, ones_hbm,
                s_out, deg_out, rows_v, dsti_v, srci_v, ones_v, s_acc, d_acc):
    c = lax.axis_index("c")
    s = lax.axis_index("s")
    wid = s * NC + c
    pltpu.sync_copy(zrows_hbm, s_acc.at[pl.ds(s * ZROWS, ZROWS)])
    pltpu.sync_copy(zdeg_hbm, d_acc.at[pl.ds(s * ZROWS, ZROWS)])
    pltpu.sync_copy(ones_hbm, ones_v)
    plsc.subcore_barrier()

    def body(k, carry):
        chunk = wid + k * NW

        @pl.when(chunk < NCHUNKS)
        def _():
            base = chunk * CHUNK
            pltpu.sync_copy(dst_hbm.at[pl.ds(base, CHUNK)], dsti_v)
            pltpu.sync_copy(src_hbm.at[pl.ds(base, CHUNK)], srci_v)
            pltpu.sync_copy(ef_hbm.at[pl.ds(base, CHUNK)], rows_v)
            pltpu.sync_copy(rows_v, s_acc.at[dsti_v], add=True)
            pltpu.sync_copy(ones_v, d_acc.at[srci_v], add=True)

        return carry

    lax.fori_loop(0, KMAX, body, 0)
    plsc.subcore_barrier()
    pltpu.sync_copy(s_acc.at[pl.ds(s * ZROWS, ZROWS)], s_out.at[c, pl.ds(s * ZROWS, ZROWS)])
    pltpu.sync_copy(d_acc.at[pl.ds(s * ZROWS, ZROWS)], deg_out.at[pl.ds(c * NP + s * ZROWS, ZROWS)])


@functools.partial(
    pl.kernel,
    out_type=(
        jax.ShapeDtypeStruct((E, H), jnp.float32),
        jax.ShapeDtypeStruct((E, H), jnp.float32),
        jax.ShapeDtypeStruct((E,), jnp.float32),
    ),
    mesh=_MESH,
    scratch_types=[
        pltpu.VMEM((CHUNK,), jnp.int32),
        pltpu.VMEM((CHUNK,), jnp.int32),
        pltpu.VMEM((CHUNK, H), jnp.float32),
        pltpu.VMEM((CHUNK, H), jnp.float32),
        pltpu.VMEM((CHUNK,), jnp.float32),
        pltpu.VMEM((NP,), jnp.float32),
        pltpu.VMEM((NP,), jnp.float32),
        pltpu.SemaphoreType.DMA,
        pltpu.SemaphoreType.DMA,
    ],
    compiler_params=pltpu.CompilerParams(needs_layout_passes=False),
)
def _sc_gather(adst_hbm, asrc_hbm, deg_hbm, dst_hbm, src_hbm,
               msgd_out, msgs_out, degv_out,
               dsti_v, srci_v, buf_a, buf_b, buf_f, d0_v, d1_v, sem_a, sem_b):
    c = lax.axis_index("c")
    s = lax.axis_index("s")
    wid = s * NC + c
    pltpu.sync_copy(deg_hbm.at[pl.ds(0, NP)], d0_v)
    pltpu.sync_copy(deg_hbm.at[pl.ds(NP, NP)], d1_v)

    def body(k, carry):
        chunk = wid + k * NW

        @pl.when(chunk < NCHUNKS)
        def _():
            base = chunk * CHUNK
            pltpu.sync_copy(dst_hbm.at[pl.ds(base, CHUNK)], dsti_v)
            pltpu.sync_copy(src_hbm.at[pl.ds(base, CHUNK)], srci_v)
            cp_a = pltpu.async_copy(adst_hbm.at[dsti_v], buf_a, sem_a)
            cp_b = pltpu.async_copy(asrc_hbm.at[srci_v], buf_b, sem_b)
            for j in range(CHUNK // L):
                idx = dsti_v[pl.ds(j * L, L)]
                buf_f[pl.ds(j * L, L)] = (
                    plsc.load_gather(d0_v, [idx]) + plsc.load_gather(d1_v, [idx])
                )
            cp_a.wait()
            pltpu.sync_copy(buf_a, msgd_out.at[pl.ds(base, CHUNK)])
            cp_b.wait()
            pltpu.sync_copy(buf_b, msgs_out.at[pl.ds(base, CHUNK)])
            pltpu.sync_copy(buf_f, degv_out.at[pl.ds(base, CHUNK)])

        return carry

    lax.fori_loop(0, KMAX, body, 0)


BN = 1000
BE = 640


def _tc_tables_body(nf, dstw, srcw, adst_o, asrc_o):
    x = nf[...]
    adst_o[...] = x @ dstw[...]
    asrc_o[...] = x @ srcw[...]


def _tc_node_body(nf, sp, nloopw, inw, nb, nw1t, nb1, nw2t, nb2, n_o):
    x = nf[...]
    ssum = sp[0] + sp[1]
    npre = x @ nloopw[...] - ssum @ inw[...] + nb[...]
    h = jnp.maximum(npre @ nw1t[...] + nb1[...], 0.0)
    n_o[...] = h @ nw2t[...] + nb2[...]


_LOG2E = 1.4426950408889634


def _tc_edge_body(ef, msgd, msgs, dv, w2, eb, ew1t, eb1, ew2t, eb2, e_o):
    p = ef[...] @ w2[...]
    d = dv[0]
    eye = (lax.broadcasted_iota(jnp.int32, (128, 128), 0)
           == lax.broadcasted_iota(jnp.int32, (128, 128), 1)).astype(jnp.float32)
    cols = [
        jnp.sum(jnp.broadcast_to(d[r:r + 1, :], (128, 128)) * eye, axis=1,
                keepdims=True)
        for r in range(BE // 128)
    ]
    dcol = jnp.concatenate(cols, axis=0)
    f = 2.0 * (1.0 + _LOG2E * jnp.log(1.0 + dcol))
    epre = p[:, :H] + f * p[:, H:] + msgd[...] - msgs[...] + eb[...]
    h = jnp.maximum(epre @ ew1t[...] + eb1[...], 0.0)
    e_o[...] = h @ ew2t[...] + eb2[...]


def _row_spec(rows, cols):
    return pl.BlockSpec((rows, cols), lambda i: (i, 0))


def _full_spec(shape):
    nd = len(shape)
    return pl.BlockSpec(shape, lambda i: (0,) * nd)


def kernel(node_feat, edge_feat, edge_index, in_w, out_w, src_w, dst_w, nloop_w,
           eloop_w, nbias, ebias, nw1, nb1, nw2, nb2, ew1, eb1, ew2, eb2):
    src = edge_index[0]
    dst = edge_index[1]
    zrows = jnp.zeros((ZROWS, D), jnp.float32)
    zdeg = jnp.zeros((ZROWS,), jnp.float32)
    ones = jnp.ones((CHUNK,), jnp.float32)

    spart, deg1d = _sc_scatter(edge_feat, dst, src, zrows, zdeg, ones)

    adst, asrc = pl.pallas_call(
        _tc_tables_body,
        grid=(N // BN,),
        in_specs=[
            _row_spec(BN, D),
            _full_spec((D, H)),
            _full_spec((D, H)),
        ],
        out_specs=[_row_spec(BN, H), _row_spec(BN, H)],
        out_shape=[
            jax.ShapeDtypeStruct((N, H), jnp.float32),
            jax.ShapeDtypeStruct((N, H), jnp.float32),
        ],
    )(node_feat, dst_w, src_w)

    msgd, msgs, degv = _sc_gather(adst, asrc, deg1d, dst, src)

    nb2d = nbias.reshape(1, H)
    eb2d = ebias.reshape(1, H)
    nb1_2d = nb1.reshape(1, H)
    nb2_2d = nb2.reshape(1, H)
    eb1_2d = eb1.reshape(1, H)
    eb2_2d = eb2.reshape(1, H)

    n = pl.pallas_call(
        _tc_node_body,
        grid=(N // BN,),
        in_specs=[
            _row_spec(BN, D),
            pl.BlockSpec((NC, BN, D), lambda i: (0, i, 0)),
            _full_spec((D, H)),
            _full_spec((D, H)),
            _full_spec((1, H)),
            _full_spec((H, H)),
            _full_spec((1, H)),
            _full_spec((H, H)),
            _full_spec((1, H)),
        ],
        out_specs=_row_spec(BN, H),
        out_shape=jax.ShapeDtypeStruct((N, H), jnp.float32),
    )(node_feat, spart, nloop_w, in_w, nb2d, nw1.T, nb1_2d, nw2.T, nb2_2d)

    w2 = jnp.concatenate([eloop_w, src_w - dst_w], axis=1)
    degv3d = degv.reshape(E // BE, BE // 128, 128)
    e = pl.pallas_call(
        _tc_edge_body,
        grid=(E // BE,),
        in_specs=[
            _row_spec(BE, D),
            _row_spec(BE, H),
            _row_spec(BE, H),
            pl.BlockSpec((1, BE // 128, 128), lambda i: (i, 0, 0)),
            _full_spec((D, 2 * H)),
            _full_spec((1, H)),
            _full_spec((H, H)),
            _full_spec((1, H)),
            _full_spec((H, H)),
            _full_spec((1, H)),
        ],
        out_specs=_row_spec(BE, H),
        out_shape=jax.ShapeDtypeStruct((E, H), jnp.float32),
    )(edge_feat, msgd, msgs, degv3d, w2, eb2d, ew1.T, eb1_2d, ew2.T, eb2_2d)

    return (n, e)

# --- scband reference (transcript-rebuilt; emitter-appended) ---
"""Pipeline reference for scband-dmplayer-71021579206972 (READ-ONLY COPY).

The authoritative reference and input builder live on the scoring server;
editing this copy changes nothing except your own understanding.
"""

import jax, jax.numpy as jnp
import numpy as np

N = 10000
E = 320000
D = 128
H = 128


def _uni(key, shape, scale):
    return (jax.random.uniform(key, shape, dtype=jnp.float32) * 2.0 - 1.0) * scale


def setup_inputs(seed: int = 0):
    key = jax.random.key(seed)
    ks = jax.random.split(key, 20)
    s = 1.0 / np.sqrt(D)
    sh = 1.0 / np.sqrt(H)
    inp = {}
    inp["node_feat"] = jax.random.normal(ks[0], (N, D), dtype=jnp.float32)
    inp["edge_feat"] = jax.random.normal(ks[1], (E, D), dtype=jnp.float32)
    inp["edge_index"] = jax.random.randint(ks[2], (2, E), 0, N, dtype=jnp.int32)
    # six [D,H] graph weights, divided by init_neigenv / init_eeigenv = 4.0
    inp["in_w"] = _uni(ks[3], (D, H), s / 4.0)
    inp["out_w"] = _uni(ks[4], (D, H), s / 4.0)
    inp["src_w"] = _uni(ks[5], (D, H), s / 4.0)
    inp["dst_w"] = _uni(ks[6], (D, H), s / 4.0)
    inp["nloop_w"] = _uni(ks[7], (D, H), s / 4.0)
    inp["eloop_w"] = _uni(ks[8], (D, H), s / 4.0)
    inp["nbias"] = jnp.zeros((H,), jnp.float32)
    inp["ebias"] = jnp.zeros((H,), jnp.float32)
    # node MLP: Linear(H,H) -> ReLU -> Linear(H,H)   (batch_norm=False, dropout=0)
    inp["nw1"] = _uni(ks[9], (H, H), sh)
    inp["nb1"] = _uni(ks[10], (H,), sh)
    inp["nw2"] = _uni(ks[11], (H, H), sh)
    inp["nb2"] = _uni(ks[12], (H,), sh)
    # edge MLP
    inp["ew1"] = _uni(ks[13], (H, H), sh)
    inp["eb1"] = _uni(ks[14], (H,), sh)
    inp["ew2"] = _uni(ks[15], (H, H), sh)
    inp["eb2"] = _uni(ks[16], (H,), sh)
    return inp


def reference(node_feat, edge_feat, edge_index, in_w, out_w, src_w, dst_w,
              nloop_w, eloop_w, nbias, ebias, nw1, nb1, nw2, nb2,
              ew1, eb1, ew2, eb2):
    src = edge_index[0]
    dst = edge_index[1]
    n_edges = src.shape[0]
    # graph.out_degrees(): number of edges for which node is the source
    out_deg = jax.ops.segment_sum(jnp.ones((n_edges,), jnp.float32), src, num_segments=N)
    # _node_message_func (no REVFLAG in edata):
    edge_msg = jnp.take(node_feat @ dst_w, dst, axis=0) - jnp.take(node_feat @ src_w, src, axis=0)
    node_msg = -(edge_feat @ in_w)
    # fn.sum reduce of node messages at destination nodes
    agg = jax.ops.segment_sum(node_msg, dst, num_segments=N)
    # _node_update_func: nloop + agg + bias -> nmlp (Linear, ReLU, Linear)
    n = node_feat @ nloop_w + agg + nbias
    n = jax.nn.relu(n @ nw1.T + nb1) @ nw2.T + nb2
    # _edge_update_func
    d = jnp.log2(1.0 + jnp.take(out_deg, dst))[:, None]
    add = 2.0 * (1.0 + d) * (edge_feat @ (src_w - dst_w))
    e = edge_feat @ eloop_w + add + edge_msg + ebias
    e = jax.nn.relu(e @ ew1.T + eb1) @ ew2.T + eb2
    return (n, e)

if __name__ == "__main__":
    import jax
    _d = setup_inputs()
    print(jax.jit(kernel)(*tuple(_d.values())))

</pallas_src>

<mosaic_0001>
#map = affine_map<(d0, d1) -> (0, 0)>
#map1 = affine_map<(d0, d1) -> (0)>
#map2 = affine_map<(d0, d1) -> (0, 0, 0)>
module attributes {stable_mosaic.version = 14 : i64} {
  func.func @_sc_scatter(%arg0: i32, %arg1: i32, %arg2: memref<320000x128xf32, #tpu.memory_space<hbm>>, %arg3: memref<320000xi32, #tpu.memory_space<hbm>>, %arg4: memref<320000xi32, #tpu.memory_space<hbm>>, %arg5: memref<640x128xf32, #tpu.memory_space<hbm>>, %arg6: memref<640xf32, #tpu.memory_space<hbm>>, %arg7: memref<128xf32, #tpu.memory_space<hbm>>, %arg8: memref<2x10240x128xf32, #tpu.memory_space<hbm>>, %arg9: memref<20480xf32, #tpu.memory_space<hbm>>, %arg10: memref<128x128xf32, #tpu.memory_space<vmem>>, %arg11: memref<128xi32, #tpu.memory_space<vmem>>, %arg12: memref<128xi32, #tpu.memory_space<vmem>>, %arg13: memref<128xf32, #tpu.memory_space<vmem>>, %arg14: memref<10240x128xf32, #tpu.memory_space<vmem_shared>>, %arg15: memref<10240xf32, #tpu.memory_space<vmem_shared>>) attributes {dimension_semantics = [#tpu.dimension_semantics<core_parallel>, #tpu.dimension_semantics<subcore_parallel>], iteration_bounds = array<i64: 2, 16>, scalar_prefetch = 0 : i64, scratch_operands = 6 : i64, tpu.core_type = #tpu.core_type<sc_vector_subcore>, window_params = [{transform_indices = #map}, {transform_indices = #map1}, {transform_indices = #map1}, {transform_indices = #map}, {transform_indices = #map1}, {transform_indices = #map1}, {transform_indices = #map2}, {transform_indices = #map1}]} {
    %mul3A = arith.constant 2 : i32
    %mul3A_0 = arith.muli %arg1, %mul3A : i32
    %add3A = arith.addi %mul3A_0, %arg0 : i32
    %mul3A_1 = arith.constant 640 : i32
    %mul3A_2 = arith.muli %arg1, %mul3A_1 : i32
    "tpu.region"() ({
      %run_scoped3A = tpu.sem_alloc : memref<!tpu.dma_semaphore, #tpu.memory_space<semaphore_mem>>
      %dma_start3A = arith.constant 0 : i32
      %dma_start3A_22 = tpu.memref_slice %arg14[%mul3A_2, %dma_start3A] : memref<10240x128xf32, #tpu.memory_space<vmem_shared>> -> memref<640x128xf32, #tpu.memory_space<vmem_shared>>
      tpu.enqueue_dma source(%arg5 : memref<640x128xf32, #tpu.memory_space<hbm>>) target(%dma_start3A_22 : memref<640x128xf32, #tpu.memory_space<vmem_shared>>) target_semaphore(%run_scoped3A : memref<!tpu.dma_semaphore, #tpu.memory_space<semaphore_mem>>)
      %dma_wait3A = arith.constant 0 : i32
      %dma_wait3A_23 = tpu.memref_slice %arg14[%mul3A_2, %dma_wait3A] : memref<10240x128xf32, #tpu.memory_space<vmem_shared>> -> memref<640x128xf32, #tpu.memory_space<vmem_shared>>
      tpu.wait_dma2 semaphore(%run_scoped3A : memref<!tpu.dma_semaphore, #tpu.memory_space<semaphore_mem>>) src(%arg5 : memref<640x128xf32, #tpu.memory_space<hbm>>) dst(%dma_wait3A_23 : memref<640x128xf32, #tpu.memory_space<vmem_shared>>)
      tpu.yield
    }) : () -> ()
    %mul3A_3 = arith.constant 640 : i32
    %mul3A_4 = arith.muli %arg1, %mul3A_3 : i32
    "tpu.region"() ({
      %run_scoped3A = tpu.sem_alloc : memref<!tpu.dma_semaphore, #tpu.memory_space<semaphore_mem>>
      %dma_start3A = tpu.memref_slice %arg15[%mul3A_4] : memref<10240xf32, #tpu.memory_space<vmem_shared>> -> memref<640xf32, #tpu.memory_space<vmem_shared>>
      tpu.enqueue_dma source(%arg6 : memref<640xf32, #tpu.memory_space<hbm>>) target(%dma_start3A : memref<640xf32, #tpu.memory_space<vmem_shared>>) target_semaphore(%run_scoped3A : memref<!tpu.dma_semaphore, #tpu.memory_space<semaphore_mem>>)
      %dma_wait3A = tpu.memref_slice %arg15[%mul3A_4] : memref<10240xf32, #tpu.memory_space<vmem_shared>> -> memref<640xf32, #tpu.memory_space<vmem_shared>>
      tpu.wait_dma2 semaphore(%run_scoped3A : memref<!tpu.dma_semaphore, #tpu.memory_space<semaphore_mem>>) src(%arg6 : memref<640xf32, #tpu.memory_space<hbm>>) dst(%dma_wait3A : memref<640xf32, #tpu.memory_space<vmem_shared>>)
      tpu.yield
    }) : () -> ()
    "tpu.region"() ({
      %run_scoped3A = tpu.sem_alloc : memref<!tpu.dma_semaphore, #tpu.memory_space<semaphore_mem>>
      tpu.enqueue_dma source(%arg7 : memref<128xf32, #tpu.memory_space<hbm>>) target(%arg13 : memref<128xf32, #tpu.memory_space<vmem>>) target_semaphore(%run_scoped3A : memref<!tpu.dma_semaphore, #tpu.memory_space<semaphore_mem>>)
      tpu.wait_dma2 semaphore(%run_scoped3A : memref<!tpu.dma_semaphore, #tpu.memory_space<semaphore_mem>>) src(%arg7 : memref<128xf32, #tpu.memory_space<hbm>>) dst(%arg13 : memref<128xf32, #tpu.memory_space<vmem>>)
      tpu.yield
    }) : () -> ()
    %barrier3A = arith.constant 0 : index
    tpu.barrier barrier_id(%barrier3A)
    %scan3A = arith.constant 0 : i32
    %scan3A_5 = arith.constant 0 : i32
    %scan3A_6 = arith.constant 79 : i32
    %scan3A_7 = arith.addi %scan3A_5, %scan3A_6 : i32
    %scan3A_8 = arith.constant 1 : i32
    scf.for %scan3A_22 = %scan3A_5 to %scan3A_7 step %scan3A_8  : i32 {
      %mul3A_23 = arith.constant 32 : i32
      %mul3A_24 = arith.muli %scan3A_22, %mul3A_23 : i32
      %add3A_25 = arith.addi %add3A, %mul3A_24 : i32
      %lt3A = arith.constant 2500 : i32
      %lt3A_26 = arith.cmpi slt, %add3A_25, %lt3A : i32
      %convert_element_type3A = arith.extui %lt3A_26 : i1 to i32
      %cond3A = arith.constant 0 : i32
      %cond3A_27 = arith.cmpi ne, %convert_element_type3A, %cond3A : i32
      scf.if %cond3A_27 {
        %mul3A_28 = arith.constant 128 : i32
        %mul3A_29 = arith.muli %add3A_25, %mul3A_28 : i32
        "tpu.region"() ({
          %run_scoped3A = tpu.sem_alloc : memref<!tpu.dma_semaphore, #tpu.memory_space<semaphore_mem>>
          %dma_start3A = tpu.memref_slice %arg3[%mul3A_29] : memref<320000xi32, #tpu.memory_space<hbm>> -> memref<128xi32, #tpu.memory_space<hbm>>
          %dma_start3A_30 = tpu.memref_slice %arg3[%mul3A_29] : memref<320000xi32, #tpu.memory_space<hbm>> -> memref<128xi32, #tpu.memory_space<hbm>>
          tpu.enqueue_dma source(%dma_start3A_30 : memref<128xi32, #tpu.memory_space<hbm>>) target(%arg11 : memref<128xi32, #tpu.memory_space<vmem>>) target_semaphore(%run_scoped3A : memref<!tpu.dma_semaphore, #tpu.memory_space<semaphore_mem>>)
          %dma_wait3A = tpu.memref_slice %arg3[%mul3A_29] : memref<320000xi32, #tpu.memory_space<hbm>> -> memref<128xi32, #tpu.memory_space<hbm>>
          %dma_wait3A_31 = tpu.memref_slice %arg3[%mul3A_29] : memref<320000xi32, #tpu.memory_space<hbm>> -> memref<128xi32, #tpu.memory_space<hbm>>
          tpu.wait_dma2 semaphore(%run_scoped3A : memref<!tpu.dma_semaphore, #tpu.memory_space<semaphore_mem>>) src(%dma_wait3A_31 : memref<128xi32, #tpu.memory_space<hbm>>) dst(%arg11 : memref<128xi32, #tpu.memory_space<vmem>>)
          tpu.yield
        }) : () -> ()
        "tpu.region"() ({
          %run_scoped3A = tpu.sem_alloc : memref<!tpu.dma_semaphore, #tpu.memory_space<semaphore_mem>>
          %dma_start3A = tpu.memref_slice %arg4[%mul3A_29] : memref<320000xi32, #tpu.memory_space<hbm>> -> memref<128xi32, #tpu.memory_space<hbm>>
          %dma_start3A_30 = tpu.memref_slice %arg4[%mul3A_29] : memref<320000xi32, #tpu.memory_space<hbm>> -> memref<128xi32, #tpu.memory_space<hbm>>
          tpu.enqueue_dma source(%dma_start3A_30 : memref<128xi32, #tpu.memory_space<hbm>>) target(%arg12 : memref<128xi32, #tpu.memory_space<vmem>>) target_semaphore(%run_scoped3A : memref<!tpu.dma_semaphore, #tpu.memory_space<semaphore_mem>>)
          %dma_wait3A = tpu.memref_slice %arg4[%mul3A_29] : memref<320000xi32, #tpu.memory_space<hbm>> -> memref<128xi32, #tpu.memory_space<hbm>>
          %dma_wait3A_31 = tpu.memref_slice %arg4[%mul3A_29] : memref<320000xi32, #tpu.memory_space<hbm>> -> memref<128xi32, #tpu.memory_space<hbm>>
          tpu.wait_dma2 semaphore(%run_scoped3A : memref<!tpu.dma_semaphore, #tpu.memory_space<semaphore_mem>>) src(%dma_wait3A_31 : memref<128xi32, #tpu.memory_space<hbm>>) dst(%arg12 : memref<128xi32, #tpu.memory_space<vmem>>)
          tpu.yield
        }) : () -> ()
        "tpu.region"() ({
          %run_scoped3A = tpu.sem_alloc : memref<!tpu.dma_semaphore, #tpu.memory_space<semaphore_mem>>
          %dma_start3A = arith.constant 0 : i32
          %dma_start3A_30 = tpu.memref_slice %arg2[%mul3A_29, %dma_start3A] : memref<320000x128xf32, #tpu.memory_space<hbm>> -> memref<128x128xf32, #tpu.memory_space<hbm>>
          %dma_start3A_31 = arith.constant 0 : i32
          %dma_start3A_32 = tpu.memref_slice %arg2[%mul3A_29, %dma_start3A_31] : memref<320000x128xf32, #tpu.memory_space<hbm>> -> memref<128x128xf32, #tpu.memory_space<hbm>>
          tpu.enqueue_dma source(%dma_start3A_32 : memref<128x128xf32, #tpu.memory_space<hbm>>) target(%arg10 : memref<128x128xf32, #tpu.memory_space<vmem>>) target_semaphore(%run_scoped3A : memref<!tpu.dma_semaphore, #tpu.memory_space<semaphore_mem>>)
          %dma_wait3A = arith.constant 0 : i32
          %dma_wait3A_33 = tpu.memref_slice %arg2[%mul3A_29, %dma_wait3A] : memref<320000x128xf32, #tpu.memory_space<hbm>> -> memref<128x128xf32, #tpu.memory_space<hbm>>
          %dma_wait3A_34 = arith.constant 0 : i32
          %dma_wait3A_35 = tpu.memref_slice %arg2[%mul3A_29, %dma_wait3A_34] : memref<320000x128xf32, #tpu.memory_space<hbm>> -> memref<128x128xf32, #tpu.memory_space<hbm>>
          tpu.wait_dma2 semaphore(%run_scoped3A : memref<!tpu.dma_semaphore, #tpu.memory_space<semaphore_mem>>) src(%dma_wait3A_35 : memref<128x128xf32, #tpu.memory_space<hbm>>) dst(%arg10 : memref<128x128xf32, #tpu.memory_space<vmem>>)
          tpu.yield
        }) : () -> ()
        "tpu.region"() ({
          %run_scoped3A = tpu.sem_alloc : memref<!tpu.dma_semaphore, #tpu.memory_space<semaphore_mem>>
          %dma_start3A = arith.constant 0 : i32
          %dma_start3A_30 = arith.constant 0 : i32
          %dma_start3A_31 = tpu.memref_slice %arg14[%dma_start3A, %dma_start3A_30] : memref<10240x128xf32, #tpu.memory_space<vmem_shared>> -> memref<10240x128xf32, #tpu.memory_space<vmem_shared>>
          tpu.enqueue_indirect_dma source(%arg10 : memref<128x128xf32, #tpu.memory_space<vmem>>) target(%dma_start3A_31 : memref<10240x128xf32, #tpu.memory_space<vmem_shared>>) offsets(%arg11 : memref<128xi32, #tpu.memory_space<vmem>>) semaphore(%run_scoped3A : memref<!tpu.dma_semaphore, #tpu.memory_space<semaphore_mem>>) {add = true}
          %dma_wait3A = arith.constant 0 : i32
          %dma_wait3A_32 = arith.constant 0 : i32
          %dma_wait3A_33 = tpu.memref_slice %arg14[%dma_wait3A, %dma_wait3A_32] : memref<10240x128xf32, #tpu.memory_space<vmem_shared>> -> memref<10240x128xf32, #tpu.memory_space<vmem_shared>>
          tpu.wait_indirect_dma semaphore(%run_scoped3A : memref<!tpu.dma_semaphore, #tpu.memory_space<semaphore_mem>>) src(%arg10 : memref<128x128xf32, #tpu.memory_space<vmem>>) dst(%dma_wait3A_33 : memref<10240x128xf32, #tpu.memory_space<vmem_shared>>)
          tpu.yield
        }) : () -> ()
        "tpu.region"() ({
          %run_scoped3A = tpu.sem_alloc : memref<!tpu.dma_semaphore, #tpu.memory_space<semaphore_mem>>
          %dma_start3A = arith.constant 0 : i32
          %dma_start3A_30 = tpu.memref_slice %arg15[%dma_start3A] : memref<10240xf32, #tpu.memory_space<vmem_shared>> -> memref<10240xf32, #tpu.memory_space<vmem_shared>>
          tpu.enqueue_indirect_dma source(%arg13 : memref<128xf32, #tpu.memory_space<vmem>>) target(%dma_start3A_30 : memref<10240xf32, #tpu.memory_space<vmem_shared>>) offsets(%arg12 : memref<128xi32, #tpu.memory_space<vmem>>) semaphore(%run_scoped3A : memref<!tpu.dma_semaphore, #tpu.memory_space<semaphore_mem>>) {add = true}
          %dma_wait3A = arith.constant 0 : i32
          %dma_wait3A_31 = tpu.memref_slice %arg15[%dma_wait3A] : memref<10240xf32, #tpu.memory_space<vmem_shared>> -> memref<10240xf32, #tpu.memory_space<vmem_shared>>
          tpu.wait_indirect_dma semaphore(%run_scoped3A : memref<!tpu.dma_semaphore, #tpu.memory_space<semaphore_mem>>) src(%arg13 : memref<128xf32, #tpu.memory_space<vmem>>) dst(%dma_wait3A_31 : memref<10240xf32, #tpu.memory_space<vmem_shared>>)
          tpu.yield
        }) : () -> ()
      } else {
      }
    }
    %scan3A_9 = arith.constant 79 : i32
    %barrier3A_10 = arith.constant 0 : index
    tpu.barrier barrier_id(%barrier3A_10)
    %mul3A_11 = arith.constant 640 : i32
    %mul3A_12 = arith.muli %arg1, %mul3A_11 : i32
    %mul3A_13 = arith.constant 640 : i32
    %mul3A_14 = arith.muli %arg1, %mul3A_13 : i32
    "tpu.region"() ({
      %run_scoped3A = tpu.sem_alloc : memref<!tpu.dma_semaphore, #tpu.memory_space<semaphore_mem>>
      %dma_start3A = arith.constant 0 : i32
      %dma_start3A_22 = tpu.memref_slice %arg8[%arg0, %mul3A_14, %dma_start3A] : memref<2x10240x128xf32, #tpu.memory_space<hbm>> -> memref<1x640x128xf32, #tpu.memory_space<hbm>>
      %dma_start3A_23 = tpu.memref_squeeze %dma_start3A_22 : memref<1x640x128xf32, #tpu.memory_space<hbm>> -> memref<640x128xf32, #tpu.memory_space<hbm>>
      %dma_start3A_24 = arith.constant 0 : i32
      %dma_start3A_25 = tpu.memref_slice %arg14[%mul3A_12, %dma_start3A_24] : memref<10240x128xf32, #tpu.memory_space<vmem_shared>> -> memref<640x128xf32, #tpu.memory_space<vmem_shared>>
      tpu.enqueue_dma source(%dma_start3A_25 : memref<640x128xf32, #tpu.memory_space<vmem_shared>>) target(%dma_start3A_23 : memref<640x128xf32, #tpu.memory_space<hbm>>) target_semaphore(%run_scoped3A : memref<!tpu.dma_semaphore, #tpu.memory_space<semaphore_mem>>)
      %dma_wait3A = arith.constant 0 : i32
      %dma_wait3A_26 = tpu.memref_slice %arg8[%arg0, %mul3A_14, %dma_wait3A] : memref<2x10240x128xf32, #tpu.memory_space<hbm>> -> memref<1x640x128xf32, #tpu.memory_space<hbm>>
      %dma_wait3A_27 = tpu.memref_squeeze %dma_wait3A_26 : memref<1x640x128xf32, #tpu.memory_space<hbm>> -> memref<640x128xf32, #tpu.memory_space<hbm>>
      %dma_wait3A_28 = arith.constant 0 : i32
      %dma_wait3A_29 = tpu.memref_slice %arg14[%mul3A_12, %dma_wait3A_28] : memref<10240x128xf32, #tpu.memory_space<vmem_shared>> -> memref<640x128xf32, #tpu.memory_space<vmem_shared>>
      tpu.wait_dma2 semaphore(%run_scoped3A : memref<!tpu.dma_semaphore, #tpu.memory_space<semaphore_mem>>) src(%dma_wait3A_29 : memref<640x128xf32, #tpu.memory_space<vmem_shared>>) dst(%dma_wait3A_27 : memref<640x128xf32, #tpu.memory_space<hbm>>)
      tpu.yield
    }) : () -> ()
    %mul3A_15 = arith.constant 640 : i32
    %mul3A_16 = arith.muli %arg1, %mul3A_15 : i32
    %mul3A_17 = arith.constant 10240 : i32
    %mul3A_18 = arith.muli %arg0, %mul3A_17 : i32
    %mul3A_19 = arith.constant 640 : i32
    %mul3A_20 = arith.muli %arg1, %mul3A_19 : i32
    %add3A_21 = arith.addi %mul3A_18, %mul3A_20 : i32
    "tpu.region"() ({
      %run_scoped3A = tpu.sem_alloc : memref<!tpu.dma_semaphore, #tpu.memory_space<semaphore_mem>>
      %dma_start3A = tpu.memref_slice %arg9[%add3A_21] : memref<20480xf32, #tpu.memory_space<hbm>> -> memref<640xf32, #tpu.memory_space<hbm>>
      %dma_start3A_22 = tpu.memref_slice %arg15[%mul3A_16] : memref<10240xf32, #tpu.memory_space<vmem_shared>> -> memref<640xf32, #tpu.memory_space<vmem_shared>>
      tpu.enqueue_dma source(%dma_start3A_22 : memref<640xf32, #tpu.memory_space<vmem_shared>>) target(%dma_start3A : memref<640xf32, #tpu.memory_space<hbm>>) target_semaphore(%run_scoped3A : memref<!tpu.dma_semaphore, #tpu.memory_space<semaphore_mem>>)
      %dma_wait3A = tpu.memref_slice %arg9[%add3A_21] : memref<20480xf32, #tpu.memory_space<hbm>> -> memref<640xf32, #tpu.memory_space<hbm>>
      %dma_wait3A_23 = tpu.memref_slice %arg15[%mul3A_16] : memref<10240xf32, #tpu.memory_space<vmem_shared>> -> memref<640xf32, #tpu.memory_space<vmem_shared>>
      tpu.wait_dma2 semaphore(%run_scoped3A : memref<!tpu.dma_semaphore, #tpu.memory_space<semaphore_mem>>) src(%dma_wait3A_23 : memref<640xf32, #tpu.memory_space<vmem_shared>>) dst(%dma_wait3A : memref<640xf32, #tpu.memory_space<hbm>>)
      tpu.yield
    }) : () -> ()
    return
  }
}

#map = affine_map<(d0, d1) -> (0, 0)>
#map1 = affine_map<(d0, d1) -> (0)>
module attributes {stable_mosaic.version = 14 : i64} {
  func.func @_sc_gather(%arg0: i32, %arg1: i32, %arg2: memref<10000x128xf32, #tpu.memory_space<hbm>>, %arg3: memref<10000x128xf32, #tpu.memory_space<hbm>>, %arg4: memref<20480xf32, #tpu.memory_space<hbm>>, %arg5: memref<320000xi32, #tpu.memory_space<hbm>>, %arg6: memref<320000xi32, #tpu.memory_space<hbm>>, %arg7: memref<320000x128xf32, #tpu.memory_space<hbm>>, %arg8: memref<320000x128xf32, #tpu.memory_space<hbm>>, %arg9: memref<320000xf32, #tpu.memory_space<hbm>>, %arg10: memref<128xi32, #tpu.memory_space<vmem>>, %arg11: memref<128xi32, #tpu.memory_space<vmem>>, %arg12: memref<128x128xf32, #tpu.memory_space<vmem>>, %arg13: memref<128x128xf32, #tpu.memory_space<vmem>>, %arg14: memref<128xf32, #tpu.memory_space<vmem>>, %arg15: memref<10240xf32, #tpu.memory_space<vmem>>, %arg16: memref<10240xf32, #tpu.memory_space<vmem>>, %arg17: memref<!tpu.dma_semaphore, #tpu.memory_space<semaphore_mem>>, %arg18: memref<!tpu.dma_semaphore, #tpu.memory_space<semaphore_mem>>) attributes {dimension_semantics = [#tpu.dimension_semantics<core_parallel>, #tpu.dimension_semantics<subcore_parallel>], iteration_bounds = array<i64: 2, 16>, scalar_prefetch = 0 : i64, scratch_operands = 9 : i64, tpu.core_type = #tpu.core_type<sc_vector_subcore>, window_params = [{transform_indices = #map}, {transform_indices = #map}, {transform_indices = #map1}, {transform_indices = #map1}, {transform_indices = #map1}, {transform_indices = #map}, {transform_indices = #map}, {transform_indices = #map1}]} {
    %mul3A = arith.constant 2 : i32
    %mul3A_0 = arith.muli %arg1, %mul3A : i32
    %add3A = arith.addi %mul3A_0, %arg0 : i32
    "tpu.region"() ({
      %run_scoped3A = tpu.sem_alloc : memref<!tpu.dma_semaphore, #tpu.memory_space<semaphore_mem>>
      %dma_start3A = arith.constant 0 : i32
      %dma_start3A_6 = tpu.memref_slice %arg4[%dma_start3A] : memref<20480xf32, #tpu.memory_space<hbm>> -> memref<10240xf32, #tpu.memory_space<hbm>>
      %dma_start3A_7 = arith.constant 0 : i32
      %dma_start3A_8 = tpu.memref_slice %arg4[%dma_start3A_7] : memref<20480xf32, #tpu.memory_space<hbm>> -> memref<10240xf32, #tpu.memory_space<hbm>>
      tpu.enqueue_dma source(%dma_start3A_8 : memref<10240xf32, #tpu.memory_space<hbm>>) target(%arg15 : memref<10240xf32, #tpu.memory_space<vmem>>) target_semaphore(%run_scoped3A : memref<!tpu.dma_semaphore, #tpu.memory_space<semaphore_mem>>)
      %dma_wait3A = arith.constant 0 : i32
      %dma_wait3A_9 = tpu.memref_slice %arg4[%dma_wait3A] : memref<20480xf32, #tpu.memory_space<hbm>> -> memref<10240xf32, #tpu.memory_space<hbm>>
      %dma_wait3A_10 = arith.constant 0 : i32
      %dma_wait3A_11 = tpu.memref_slice %arg4[%dma_wait3A_10] : memref<20480xf32, #tpu.memory_space<hbm>> -> memref<10240xf32, #tpu.memory_space<hbm>>
      tpu.wait_dma2 semaphore(%run_scoped3A : memref<!tpu.dma_semaphore, #tpu.memory_space<semaphore_mem>>) src(%dma_wait3A_11 : memref<10240xf32, #tpu.memory_space<hbm>>) dst(%arg15 : memref<10240xf32, #tpu.memory_space<vmem>>)
      tpu.yield
    }) : () -> ()
    "tpu.region"() ({
      %run_scoped3A = tpu.sem_alloc : memref<!tpu.dma_semaphore, #tpu.memory_space<semaphore_mem>>
      %dma_start3A = arith.constant 10240 : i32
      %dma_start3A_6 = tpu.memref_slice %arg4[%dma_start3A] : memref<20480xf32, #tpu.memory_space<hbm>> -> memref<10240xf32, #tpu.memory_space<hbm>>
      %dma_start3A_7 = arith.constant 10240 : i32
      %dma_start3A_8 = tpu.memref_slice %arg4[%dma_start3A_7] : memref<20480xf32, #tpu.memory_space<hbm>> -> memref<10240xf32, #tpu.memory_space<hbm>>
      tpu.enqueue_dma source(%dma_start3A_8 : memref<10240xf32, #tpu.memory_space<hbm>>) target(%arg16 : memref<10240xf32, #tpu.memory_space<vmem>>) target_semaphore(%run_scoped3A : memref<!tpu.dma_semaphore, #tpu.memory_space<semaphore_mem>>)
      %dma_wait3A = arith.constant 10240 : i32
      %dma_wait3A_9 = tpu.memref_slice %arg4[%dma_wait3A] : memref<20480xf32, #tpu.memory_space<hbm>> -> memref<10240xf32, #tpu.memory_space<hbm>>
      %dma_wait3A_10 = arith.constant 10240 : i32
      %dma_wait3A_11 = tpu.memref_slice %arg4[%dma_wait3A_10] : memref<20480xf32, #tpu.memory_space<hbm>> -> memref<10240xf32, #tpu.memory_space<hbm>>
      tpu.wait_dma2 semaphore(%run_scoped3A : memref<!tpu.dma_semaphore, #tpu.memory_space<semaphore_mem>>) src(%dma_wait3A_11 : memref<10240xf32, #tpu.memory_space<hbm>>) dst(%arg16 : memref<10240xf32, #tpu.memory_space<vmem>>)
      tpu.yield
    }) : () -> ()
    %scan3A = arith.constant 0 : i32
    %scan3A_1 = arith.constant 0 : i32
    %scan3A_2 = arith.constant 79 : i32
    %scan3A_3 = arith.addi %scan3A_1, %scan3A_2 : i32
    %scan3A_4 = arith.constant 1 : i32
    scf.for %scan3A_6 = %scan3A_1 to %scan3A_3 step %scan3A_4  : i32 {
      %mul3A_7 = arith.constant 32 : i32
      %mul3A_8 = arith.muli %scan3A_6, %mul3A_7 : i32
      %add3A_9 = arith.addi %add3A, %mul3A_8 : i32
      %lt3A = arith.constant 2500 : i32
      %lt3A_10 = arith.cmpi slt, %add3A_9, %lt3A : i32
      %convert_element_type3A = arith.extui %lt3A_10 : i1 to i32
      %cond3A = arith.constant 0 : i32
      %cond3A_11 = arith.cmpi ne, %convert_element_type3A, %cond3A : i32
      scf.if %cond3A_11 {
        %mul3A_12 = arith.constant 128 : i32
        %mul3A_13 = arith.muli %add3A_9, %mul3A_12 : i32
        "tpu.region"() ({
          %run_scoped3A = tpu.sem_alloc : memref<!tpu.dma_semaphore, #tpu.memory_space<semaphore_mem>>
          %dma_start3A_77 = tpu.memref_slice %arg5[%mul3A_13] : memref<320000xi32, #tpu.memory_space<hbm>> -> memref<128xi32, #tpu.memory_space<hbm>>
          %dma_start3A_78 = tpu.memref_slice %arg5[%mul3A_13] : memref<320000xi32, #tpu.memory_space<hbm>> -> memref<128xi32, #tpu.memory_space<hbm>>
          tpu.enqueue_dma source(%dma_start3A_78 : memref<128xi32, #tpu.memory_space<hbm>>) target(%arg10 : memref<128xi32, #tpu.memory_space<vmem>>) target_semaphore(%run_scoped3A : memref<!tpu.dma_semaphore, #tpu.memory_space<semaphore_mem>>)
          %dma_wait3A_79 = tpu.memref_slice %arg5[%mul3A_13] : memref<320000xi32, #tpu.memory_space<hbm>> -> memref<128xi32, #tpu.memory_space<hbm>>
          %dma_wait3A_80 = tpu.memref_slice %arg5[%mul3A_13] : memref<320000xi32, #tpu.memory_space<hbm>> -> memref<128xi32, #tpu.memory_space<hbm>>
          tpu.wait_dma2 semaphore(%run_scoped3A : memref<!tpu.dma_semaphore, #tpu.memory_space<semaphore_mem>>) src(%dma_wait3A_80 : memref<128xi32, #tpu.memory_space<hbm>>) dst(%arg10 : memref<128xi32, #tpu.memory_space<vmem>>)
          tpu.yield
        }) : () -> ()
        "tpu.region"() ({
          %run_scoped3A = tpu.sem_alloc : memref<!tpu.dma_semaphore, #tpu.memory_space<semaphore_mem>>
          %dma_start3A_77 = tpu.memref_slice %arg6[%mul3A_13] : memref<320000xi32, #tpu.memory_space<hbm>> -> memref<128xi32, #tpu.memory_space<hbm>>
          %dma_start3A_78 = tpu.memref_slice %arg6[%mul3A_13] : memref<320000xi32, #tpu.memory_space<hbm>> -> memref<128xi32, #tpu.memory_space<hbm>>
          tpu.enqueue_dma source(%dma_start3A_78 : memref<128xi32, #tpu.memory_space<hbm>>) target(%arg11 : memref<128xi32, #tpu.memory_space<vmem>>) target_semaphore(%run_scoped3A : memref<!tpu.dma_semaphore, #tpu.memory_space<semaphore_mem>>)
          %dma_wait3A_79 = tpu.memref_slice %arg6[%mul3A_13] : memref<320000xi32, #tpu.memory_space<hbm>> -> memref<128xi32, #tpu.memory_space<hbm>>
          %dma_wait3A_80 = tpu.memref_slice %arg6[%mul3A_13] : memref<320000xi32, #tpu.memory_space<hbm>> -> memref<128xi32, #tpu.memory_space<hbm>>
          tpu.wait_dma2 semaphore(%run_scoped3A : memref<!tpu.dma_semaphore, #tpu.memory_space<semaphore_mem>>) src(%dma_wait3A_80 : memref<128xi32, #tpu.memory_space<hbm>>) dst(%arg11 : memref<128xi32, #tpu.memory_space<vmem>>)
          tpu.yield
        }) : () -> ()
        %dma_start3A = arith.constant 0 : i32
        %dma_start3A_14 = arith.constant 0 : i32
        %dma_start3A_15 = tpu.memref_slice %arg2[%dma_start3A, %dma_start3A_14] : memref<10000x128xf32, #tpu.memory_space<hbm>> -> memref<10000x128xf32, #tpu.memory_space<hbm>>
        tpu.enqueue_indirect_dma source(%dma_start3A_15 : memref<10000x128xf32, #tpu.memory_space<hbm>>) target(%arg12 : memref<128x128xf32, #tpu.memory_space<vmem>>) offsets(%arg10 : memref<128xi32, #tpu.memory_space<vmem>>) semaphore(%arg17 : memref<!tpu.dma_semaphore, #tpu.memory_space<semaphore_mem>>)
        %dma_start3A_16 = arith.constant 0 : i32
        %dma_start3A_17 = arith.constant 0 : i32
        %dma_start3A_18 = tpu.memref_slice %arg3[%dma_start3A_16, %dma_start3A_17] : memref<10000x128xf32, #tpu.memory_space<hbm>> -> memref<10000x128xf32, #tpu.memory_space<hbm>>
        tpu.enqueue_indirect_dma source(%dma_start3A_18 : memref<10000x128xf32, #tpu.memory_space<hbm>>) target(%arg13 : memref<128x128xf32, #tpu.memory_space<vmem>>) offsets(%arg11 : memref<128xi32, #tpu.memory_space<vmem>>) semaphore(%arg18 : memref<!tpu.dma_semaphore, #tpu.memory_space<semaphore_mem>>)
        %get3A = arith.constant 0 : index
        %get3A_19 = tpu.vector_load %arg10[%get3A] {strides = array<i32>} : memref<128xi32, #tpu.memory_space<vmem>>, vector<16xi32>,
        %gather3A = tpu.vector_load_idx %arg15[%get3A_19] : memref<10240xf32, #tpu.memory_space<vmem>>[vector<16xi32>], vector<16xf32>,
        %gather3A_20 = tpu.vector_load_idx %arg16[%get3A_19] : memref<10240xf32, #tpu.memory_space<vmem>>[vector<16xi32>], vector<16xf32>,
        %add3A_21 = arith.addf %gather3A, %gather3A_20 : vector<16xf32>
        %swap3A = arith.constant 0 : index
        %swap3A_22 = tpu.vector_load %arg14[%swap3A] {strides = array<i32>} : memref<128xf32, #tpu.memory_space<vmem>>, vector<16xf32>,
        tpu.vector_store %arg14[%swap3A], %add3A_21 {strides = array<i32>} : memref<128xf32, #tpu.memory_space<vmem>>, vector<16xf32>,
        %get3A_23 = arith.constant 16 : index
        %get3A_24 = tpu.vector_load %arg10[%get3A_23] {strides = array<i32>} : memref<128xi32, #tpu.memory_space<vmem>>, vector<16xi32>,
        %gather3A_25 = tpu.vector_load_idx %arg15[%get3A_24] : memref<10240xf32, #tpu.memory_space<vmem>>[vector<16xi32>], vector<16xf32>,
        %gather3A_26 = tpu.vector_load_idx %arg16[%get3A_24] : memref<10240xf32, #tpu.memory_space<vmem>>[vector<16xi32>], vector<16xf32>,
        %add3A_27 = arith.addf %gather3A_25, %gather3A_26 : vector<16xf32>
        %swap3A_28 = arith.constant 16 : index
        %swap3A_29 = tpu.vector_load %arg14[%swap3A_28] {strides = array<i32>} : memref<128xf32, #tpu.memory_space<vmem>>, vector<16xf32>,
        tpu.vector_store %arg14[%swap3A_28], %add3A_27 {strides = array<i32>} : memref<128xf32, #tpu.memory_space<vmem>>, vector<16xf32>,
        %get3A_30 = arith.constant 32 : index
        %get3A_31 = tpu.vector_load %arg10[%get3A_30] {strides = array<i32>} : memref<128xi32, #tpu.memory_space<vmem>>, vector<16xi32>,
        %gather3A_32 = tpu.vector_load_idx %arg15[%get3A_31] : memref<10240xf32, #tpu.memory_space<vmem>>[vector<16xi32>], vector<16xf32>,
        %gather3A_33 = tpu.vector_load_idx %arg16[%get3A_31] : memref<10240xf32, #tpu.memory_space<vmem>>[vector<16xi32>], vector<16xf32>,
        %add3A_34 = arith.addf %gather3A_32, %gather3A_33 : vector<16xf32>
        %swap3A_35 = arith.constant 32 : index
        %swap3A_36 = tpu.vector_load %arg14[%swap3A_35] {strides = array<i32>} : memref<128xf32, #tpu.memory_space<vmem>>, vector<16xf32>,
        tpu.vector_store %arg14[%swap3A_35], %add3A_34 {strides = array<i32>} : memref<128xf32, #tpu.memory_space<vmem>>, vector<16xf32>,
        %get3A_37 = arith.constant 48 : index
        %get3A_38 = tpu.vector_load %arg10[%get3A_37] {strides = array<i32>} : memref<128xi32, #tpu.memory_space<vmem>>, vector<16xi32>,
        %gather3A_39 = tpu.vector_load_idx %arg15[%get3A_38] : memref<10240xf32, #tpu.memory_space<vmem>>[vector<16xi32>], vector<16xf32>,
        %gather3A_40 = tpu.vector_load_idx %arg16[%get3A_38] : memref<10240xf32, #tpu.memory_space<vmem>>[vector<16xi32>], vector<16xf32>,
        %add3A_41 = arith.addf %gather3A_39, %gather3A_40 : vector<16xf32>
        %swap3A_42 = arith.constant 48 : index
        %swap3A_43 = tpu.vector_load %arg14[%swap3A_42] {strides = array<i32>} : memref<128xf32, #tpu.memory_space<vmem>>, vector<16xf32>,
        tpu.vector_store %arg14[%swap3A_42], %add3A_41 {strides = array<i32>} : memref<128xf32, #tpu.memory_space<vmem>>, vector<16xf32>,
        %get3A_44 = arith.constant 64 : index
        %get3A_45 = tpu.vector_load %arg10[%get3A_44] {strides = array<i32>} : memref<128xi32, #tpu.memory_space<vmem>>, vector<16xi32>,
        %gather3A_46 = tpu.vector_load_idx %arg15[%get3A_45] : memref<10240xf32, #tpu.memory_space<vmem>>[vector<16xi32>], vector<16xf32>,
        %gather3A_47 = tpu.vector_load_idx %arg16[%get3A_45] : memref<10240xf32, #tpu.memory_space<vmem>>[vector<16xi32>], vector<16xf32>,
        %add3A_48 = arith.addf %gather3A_46, %gather3A_47 : vector<16xf32>
        %swap3A_49 = arith.constant 64 : index
        %swap3A_50 = tpu.vector_load %arg14[%swap3A_49] {strides = array<i32>} : memref<128xf32, #tpu.memory_space<vmem>>, vector<16xf32>,
        tpu.vector_store %arg14[%swap3A_49], %add3A_48 {strides = array<i32>} : memref<128xf32, #tpu.memory_space<vmem>>, vector<16xf32>,
        %get3A_51 = arith.constant 80 : index
        %get3A_52 = tpu.vector_load %arg10[%get3A_51] {strides = array<i32>} : memref<128xi32, #tpu.memory_space<vmem>>, vector<16xi32>,
        %gather3A_53 = tpu.vector_load_idx %arg15[%get3A_52] : memref<10240xf32, #tpu.memory_space<vmem>>[vector<16xi32>], vector<16xf32>,
        %gather3A_54 = tpu.vector_load_idx %arg16[%get3A_52] : memref<10240xf32, #tpu.memory_space<vmem>>[vector<16xi32>], vector<16xf32>,
        %add3A_55 = arith.addf %gather3A_53, %gather3A_54 : vector<16xf32>
        %swap3A_56 = arith.constant 80 : index
        %swap3A_57 = tpu.vector_load %arg14[%swap3A_56] {strides = array<i32>} : memref<128xf32, #tpu.memory_space<vmem>>, vector<16xf32>,
        tpu.vector_store %arg14[%swap3A_56], %add3A_55 {strides = array<i32>} : memref<128xf32, #tpu.memory_space<vmem>>, vector<16xf32>,
        %get3A_58 = arith.constant 96 : index
        %get3A_59 = tpu.vector_load %arg10[%get3A_58] {strides = array<i32>} : memref<128xi32, #tpu.memory_space<vmem>>, vector<16xi32>,
        %gather3A_60 = tpu.vector_load_idx %arg15[%get3A_59] : memref<10240xf32, #tpu.memory_space<vmem>>[vector<16xi32>], vector<16xf32>,
        %gather3A_61 = tpu.vector_load_idx %arg16[%get3A_59] : memref<10240xf32, #tpu.memory_space<vmem>>[vector<16xi32>], vector<16xf32>,
        %add3A_62 = arith.addf %gather3A_60, %gather3A_61 : vector<16xf32>
        %swap3A_63 = arith.constant 96 : index
        %swap3A_64 = tpu.vector_load %arg14[%swap3A_63] {strides = array<i32>} : memref<128xf32, #tpu.memory_space<vmem>>, vector<16xf32>,
        tpu.vector_store %arg14[%swap3A_63], %add3A_62 {strides = array<i32>} : memref<128xf32, #tpu.memory_space<vmem>>, vector<16xf32>,
        %get3A_65 = arith.constant 112 : index
        %get3A_66 = tpu.vector_load %arg10[%get3A_65] {strides = array<i32>} : memref<128xi32, #tpu.memory_space<vmem>>, vector<16xi32>,
        %gather3A_67 = tpu.vector_load_idx %arg15[%get3A_66] : memref<10240xf32, #tpu.memory_space<vmem>>[vector<16xi32>], vector<16xf32>,
        %gather3A_68 = tpu.vector_load_idx %arg16[%get3A_66] : memref<10240xf32, #tpu.memory_space<vmem>>[vector<16xi32>], vector<16xf32>,
        %add3A_69 = arith.addf %gather3A_67, %gather3A_68 : vector<16xf32>
        %swap3A_70 = arith.constant 112 : index
        %swap3A_71 = tpu.vector_load %arg14[%swap3A_70] {strides = array<i32>} : memref<128xf32, #tpu.memory_space<vmem>>, vector<16xf32>,
        tpu.vector_store %arg14[%swap3A_70], %add3A_69 {strides = array<i32>} : memref<128xf32, #tpu.memory_space<vmem>>, vector<16xf32>,
        %dma_wait3A = arith.constant 0 : i32
        %dma_wait3A_72 = arith.constant 0 : i32
        %dma_wait3A_73 = tpu.memref_slice %arg2[%dma_wait3A, %dma_wait3A_72] : memref<10000x128xf32, #tpu.memory_space<hbm>> -> memref<10000x128xf32, #tpu.memory_space<hbm>>
        tpu.wait_indirect_dma semaphore(%arg17 : memref<!tpu.dma_semaphore, #tpu.memory_space<semaphore_mem>>) src(%dma_wait3A_73 : memref<10000x128xf32, #tpu.memory_space<hbm>>) dst(%arg12 : memref<128x128xf32, #tpu.memory_space<vmem>>)
        "tpu.region"() ({
          %run_scoped3A = tpu.sem_alloc : memref<!tpu.dma_semaphore, #tpu.memory_space<semaphore_mem>>
          %dma_start3A_77 = arith.constant 0 : i32
          %dma_start3A_78 = tpu.memref_slice %arg7[%mul3A_13, %dma_start3A_77] : memref<320000x128xf32, #tpu.memory_space<hbm>> -> memref<128x128xf32, #tpu.memory_space<hbm>>
          %dma_start3A_79 = arith.constant 0 : i32
          %dma_start3A_80 = tpu.memref_slice %arg7[%mul3A_13, %dma_start3A_79] : memref<320000x128xf32, #tpu.memory_space<hbm>> -> memref<128x128xf32, #tpu.memory_space<hbm>>
          tpu.enqueue_dma source(%arg12 : memref<128x128xf32, #tpu.memory_space<vmem>>) target(%dma_start3A_80 : memref<128x128xf32, #tpu.memory_space<hbm>>) target_semaphore(%run_scoped3A : memref<!tpu.dma_semaphore, #tpu.memory_space<semaphore_mem>>)
          %dma_wait3A_81 = arith.constant 0 : i32
          %dma_wait3A_82 = tpu.memref_slice %arg7[%mul3A_13, %dma_wait3A_81] : memref<320000x128xf32, #tpu.memory_space<hbm>> -> memref<128x128xf32, #tpu.memory_space<hbm>>
          %dma_wait3A_83 = arith.constant 0 : i32
          %dma_wait3A_84 = tpu.memref_slice %arg7[%mul3A_13, %dma_wait3A_83] : memref<320000x128xf32, #tpu.memory_space<hbm>> -> memref<128x128xf32, #tpu.memory_space<hbm>>
          tpu.wait_dma2 semaphore(%run_scoped3A : memref<!tpu.dma_semaphore, #tpu.memory_space<semaphore_mem>>) src(%arg12 : memref<128x128xf32, #tpu.memory_space<vmem>>) dst(%dma_wait3A_84 : memref<128x128xf32, #tpu.memory_space<hbm>>)
          tpu.yield
        }) : () -> ()
        %dma_wait3A_74 = arith.constant 0 : i32
        %dma_wait3A_75 = arith.constant 0 : i32
        %dma_wait3A_76 = tpu.memref_slice %arg3[%dma_wait3A_74, %dma_wait3A_75] : memref<10000x128xf32, #tpu.memory_space<hbm>> -> memref<10000x128xf32, #tpu.memory_space<hbm>>
        tpu.wait_indirect_dma semaphore(%arg18 : memref<!tpu.dma_semaphore, #tpu.memory_space<semaphore_mem>>) src(%dma_wait3A_76 : memref<10000x128xf32, #tpu.memory_space<hbm>>) dst(%arg13 : memref<128x128xf32, #tpu.memory_space<vmem>>)
        "tpu.region"() ({
          %run_scoped3A = tpu.sem_alloc : memref<!tpu.dma_semaphore, #tpu.memory_space<semaphore_mem>>
          %dma_start3A_77 = arith.constant 0 : i32
          %dma_start3A_78 = tpu.memref_slice %arg8[%mul3A_13, %dma_start3A_77] : memref<320000x128xf32, #tpu.memory_space<hbm>> -> memref<128x128xf32, #tpu.memory_space<hbm>>
          %dma_start3A_79 = arith.constant 0 : i32
          %dma_start3A_80 = tpu.memref_slice %arg8[%mul3A_13, %dma_start3A_79] : memref<320000x128xf32, #tpu.memory_space<hbm>> -> memref<128x128xf32, #tpu.memory_space<hbm>>
          tpu.enqueue_dma source(%arg13 : memref<128x128xf32, #tpu.memory_space<vmem>>) target(%dma_start3A_80 : memref<128x128xf32, #tpu.memory_space<hbm>>) target_semaphore(%run_scoped3A : memref<!tpu.dma_semaphore, #tpu.memory_space<semaphore_mem>>)
          %dma_wait3A_81 = arith.constant 0 : i32
          %dma_wait3A_82 = tpu.memref_slice %arg8[%mul3A_13, %dma_wait3A_81] : memref<320000x128xf32, #tpu.memory_space<hbm>> -> memref<128x128xf32, #tpu.memory_space<hbm>>
          %dma_wait3A_83 = arith.constant 0 : i32
          %dma_wait3A_84 = tpu.memref_slice %arg8[%mul3A_13, %dma_wait3A_83] : memref<320000x128xf32, #tpu.memory_space<hbm>> -> memref<128x128xf32, #tpu.memory_space<hbm>>
          tpu.wait_dma2 semaphore(%run_scoped3A : memref<!tpu.dma_semaphore, #tpu.memory_space<semaphore_mem>>) src(%arg13 : memref<128x128xf32, #tpu.memory_space<vmem>>) dst(%dma_wait3A_84 : memref<128x128xf32, #tpu.memory_space<hbm>>)
          tpu.yield
        }) : () -> ()
        "tpu.region"() ({
          %run_scoped3A = tpu.sem_alloc : memref<!tpu.dma_semaphore, #tpu.memory_space<semaphore_mem>>
          %dma_start3A_77 = tpu.memref_slice %arg9[%mul3A_13] : memref<320000xf32, #tpu.memory_space<hbm>> -> memref<128xf32, #tpu.memory_space<hbm>>
          %dma_start3A_78 = tpu.memref_slice %arg9[%mul3A_13] : memref<320000xf32, #tpu.memory_space<hbm>> -> memref<128xf32, #tpu.memory_space<hbm>>
          tpu.enqueue_dma source(%arg14 : memref<128xf32, #tpu.memory_space<vmem>>) target(%dma_start3A_78 : memref<128xf32, #tpu.memory_space<hbm>>) target_semaphore(%run_scoped3A : memref<!tpu.dma_semaphore, #tpu.memory_space<semaphore_mem>>)
          %dma_wait3A_79 = tpu.memref_slice %arg9[%mul3A_13] : memref<320000xf32, #tpu.memory_space<hbm>> -> memref<128xf32, #tpu.memory_space<hbm>>
          %dma_wait3A_80 = tpu.memref_slice %arg9[%mul3A_13] : memref<320000xf32, #tpu.memory_space<hbm>> -> memref<128xf32, #tpu.memory_space<hbm>>
          tpu.wait_dma2 semaphore(%run_scoped3A : memref<!tpu.dma_semaphore, #tpu.memory_space<semaphore_mem>>) src(%arg14 : memref<128xf32, #tpu.memory_space<vmem>>) dst(%dma_wait3A_80 : memref<128xf32, #tpu.memory_space<hbm>>)
          tpu.yield
        }) : () -> ()
      } else {
      }
    }
    %scan3A_5 = arith.constant 79 : i32
    return
  }
}

module attributes {stable_mosaic.version = 14 : i64} {
  func.func @_tc_tables_body(%arg0: i32, %arg1: memref<1000x128xf32, #tpu.memory_space<vmem>>, %arg2: memref<128x128xf32, #tpu.memory_space<vmem>>, %arg3: memref<128x128xf32, #tpu.memory_space<vmem>>, %arg4: memref<1000x128xf32, #tpu.memory_space<vmem>>, %arg5: memref<1000x128xf32, #tpu.memory_space<vmem>>) attributes {dimension_semantics = [#tpu.dimension_semantics<arbitrary>], iteration_bounds = array<i64: 10>, scalar_prefetch = 0 : i64, scratch_operands = 0 : i64, tpu.core_type = #tpu.core_type<tc>, window_params = [{transform_indices = @transform_0, window_bounds = array<i64: 1000, 128>}, {pipeline_mode = #tpu.pipeline_mode<synchronous>, transform_indices = @transform_1, window_bounds = array<i64: 128, 128>}, {pipeline_mode = #tpu.pipeline_mode<synchronous>, transform_indices = @transform_2, window_bounds = array<i64: 128, 128>}, {transform_indices = @transform_3, window_bounds = array<i64: 1000, 128>}, {transform_indices = @transform_4, window_bounds = array<i64: 1000, 128>}]} {
    %get3A = arith.constant 0 : index
    %get3A_0 = arith.constant 0 : index
    %get3A_1 = vector.load %arg1[%get3A, %get3A_0] : memref<1000x128xf32, #tpu.memory_space<vmem>>, vector<1000x128xf32>
    %get3A_2 = arith.constant 0 : index
    %get3A_3 = arith.constant 0 : index
    %get3A_4 = vector.load %arg2[%get3A_2, %get3A_3] : memref<128x128xf32, #tpu.memory_space<vmem>>, vector<128x128xf32>
    %dot_general3A = arith.constant dense<0.000000e+00> : vector<1000x128xf32>
    %dot_general3A_5 = tpu.matmul %get3A_1, %get3A_4, %dot_general3A {dimension_numbers = #tpu.dot_dimension_numbers<[1], [0], [0], [1], [0, 0, 1, 1], [], []>, transpose_lhs_hint = false} : vector<1000x128xf32>, vector<128x128xf32>, vector<1000x128xf32> -> vector<1000x128xf32>
    %swap3A = arith.constant 0 : index
    %swap3A_6 = arith.constant 0 : index
    %swap3A_7 = vector.load %arg4[%swap3A, %swap3A_6] : memref<1000x128xf32, #tpu.memory_space<vmem>>, vector<1000x128xf32>
    tpu.vector_store %arg4[%swap3A, %swap3A_6], %dot_general3A_5 {strides = array<i32>} : memref<1000x128xf32, #tpu.memory_space<vmem>>, vector<1000x128xf32>,
    %get3A_8 = arith.constant 0 : index
    %get3A_9 = arith.constant 0 : index
    %get3A_10 = vector.load %arg3[%get3A_8, %get3A_9] : memref<128x128xf32, #tpu.memory_space<vmem>>, vector<128x128xf32>
    %dot_general3A_11 = arith.constant dense<0.000000e+00> : vector<1000x128xf32>
    %dot_general3A_12 = tpu.matmul %get3A_1, %get3A_10, %dot_general3A_11 {dimension_numbers = #tpu.dot_dimension_numbers<[1], [0], [0], [1], [0, 0, 1, 1], [], []>, transpose_lhs_hint = false} : vector<1000x128xf32>, vector<128x128xf32>, vector<1000x128xf32> -> vector<1000x128xf32>
    %swap3A_13 = arith.constant 0 : index
    %swap3A_14 = arith.constant 0 : index
    %swap3A_15 = vector.load %arg5[%swap3A_13, %swap3A_14] : memref<1000x128xf32, #tpu.memory_space<vmem>>, vector<1000x128xf32>
    tpu.vector_store %arg5[%swap3A_13, %swap3A_14], %dot_general3A_12 {strides = array<i32>} : memref<1000x128xf32, #tpu.memory_space<vmem>>, vector<1000x128xf32>,
    return
  }
  func.func @transform_0(%arg0: i32) -> (i32, i32) {
    %c0_i32 = arith.constant 0 : i32
    %c0_i32_0 = arith.constant 0 : i32
    return %arg0, %c0_i32 : i32, i32
  }
  func.func @transform_1(%arg0: i32) -> (i32, i32) {
    %c0_i32 = arith.constant 0 : i32
    %c0_i32_0 = arith.constant 0 : i32
    %c0_i32_1 = arith.constant 0 : i32
    return %c0_i32, %c0_i32_0 : i32, i32
  }
  func.func @transform_2(%arg0: i32) -> (i32, i32) {
    %c0_i32 = arith.constant 0 : i32
    %c0_i32_0 = arith.constant 0 : i32
    %c0_i32_1 = arith.constant 0 : i32
    return %c0_i32, %c0_i32_0 : i32, i32
  }
  func.func @transform_3(%arg0: i32) -> (i32, i32) {
    %c0_i32 = arith.constant 0 : i32
    %c0_i32_0 = arith.constant 0 : i32
    return %arg0, %c0_i32 : i32, i32
  }
  func.func @transform_4(%arg0: i32) -> (i32, i32) {
    %c0_i32 = arith.constant 0 : i32
    %c0_i32_0 = arith.constant 0 : i32
    return %arg0, %c0_i32 : i32, i32
  }
}

module attributes {stable_mosaic.version = 14 : i64} {
  func.func @_tc_node_body(%arg0: i32, %arg1: memref<1000x128xf32, #tpu.memory_space<vmem>>, %arg2: memref<2x1000x128xf32, #tpu.memory_space<vmem>>, %arg3: memref<128x128xf32, #tpu.memory_space<vmem>>, %arg4: memref<128x128xf32, #tpu.memory_space<vmem>>, %arg5: memref<1x128xf32, #tpu.memory_space<vmem>>, %arg6: memref<128x128xf32, #tpu.memory_space<vmem>>, %arg7: memref<1x128xf32, #tpu.memory_space<vmem>>, %arg8: memref<128x128xf32, #tpu.memory_space<vmem>>, %arg9: memref<1x128xf32, #tpu.memory_space<vmem>>, %arg10: memref<1000x128xf32, #tpu.memory_space<vmem>>) attributes {dimension_semantics = [#tpu.dimension_semantics<arbitrary>], iteration_bounds = array<i64: 10>, scalar_prefetch = 0 : i64, scratch_operands = 0 : i64, tpu.core_type = #tpu.core_type<tc>, window_params = [{transform_indices = @transform_0, window_bounds = array<i64: 1000, 128>}, {transform_indices = @transform_1, window_bounds = array<i64: 2, 1000, 128>}, {pipeline_mode = #tpu.pipeline_mode<synchronous>, transform_indices = @transform_2, window_bounds = array<i64: 128, 128>}, {pipeline_mode = #tpu.pipeline_mode<synchronous>, transform_indices = @transform_3, window_bounds = array<i64: 128, 128>}, {pipeline_mode = #tpu.pipeline_mode<synchronous>, transform_indices = @transform_4, window_bounds = array<i64: 1, 128>}, {pipeline_mode = #tpu.pipeline_mode<synchronous>, transform_indices = @transform_5, window_bounds = array<i64: 128, 128>}, {pipeline_mode = #tpu.pipeline_mode<synchronous>, transform_indices = @transform_6, window_bounds = array<i64: 1, 128>}, {pipeline_mode = #tpu.pipeline_mode<synchronous>, transform_indices = @transform_7, window_bounds = array<i64: 128, 128>}, {pipeline_mode = #tpu.pipeline_mode<synchronous>, transform_indices = @transform_8, window_bounds = array<i64: 1, 128>}, {transform_indices = @transform_9, window_bounds = array<i64: 1000, 128>}]} {
    %get3A = arith.constant 0 : index
    %get3A_0 = arith.constant 0 : index
    %get3A_1 = vector.load %arg1[%get3A, %get3A_0] : memref<1000x128xf32, #tpu.memory_space<vmem>>, vector<1000x128xf32>
    %get3A_2 = arith.constant 0 : index
    %get3A_3 = arith.constant 0 : index
    %get3A_4 = arith.constant 0 : index
    %get3A_5 = vector.load %arg2[%get3A_2, %get3A_3, %get3A_4] : memref<2x1000x128xf32, #tpu.memory_space<vmem>>, vector<1x1000x128xf32>
    %get3A_6 = vector.shape_cast %get3A_5 : vector<1x1000x128xf32> to vector<1000x128xf32>
    %get3A_7 = arith.constant 1 : index
    %get3A_8 = arith.constant 0 : index
    %get3A_9 = arith.constant 0 : index
    %get3A_10 = vector.load %arg2[%get3A_7, %get3A_8, %get3A_9] : memref<2x1000x128xf32, #tpu.memory_space<vmem>>, vector<1x1000x128xf32>
    %get3A_11 = vector.shape_cast %get3A_10 : vector<1x1000x128xf32> to vector<1000x128xf32>
    %add3A = arith.addf %get3A_6, %get3A_11 : vector<1000x128xf32>
    %get3A_12 = arith.constant 0 : index
    %get3A_13 = arith.constant 0 : index
    %get3A_14 = vector.load %arg3[%get3A_12, %get3A_13] : memref<128x128xf32, #tpu.memory_space<vmem>>, vector<128x128xf32>
    %dot_general3A = arith.constant dense<0.000000e+00> : vector<1000x128xf32>
    %dot_general3A_15 = tpu.matmul %get3A_1, %get3A_14, %dot_general3A {dimension_numbers = #tpu.dot_dimension_numbers<[1], [0], [0], [1], [0, 0, 1, 1], [], []>, transpose_lhs_hint = false} : vector<1000x128xf32>, vector<128x128xf32>, vector<1000x128xf32> -> vector<1000x128xf32>
    %get3A_16 = arith.constant 0 : index
    %get3A_17 = arith.constant 0 : index
    %get3A_18 = vector.load %arg4[%get3A_16, %get3A_17] : memref<128x128xf32, #tpu.memory_space<vmem>>, vector<128x128xf32>
    %dot_general3A_19 = arith.constant dense<0.000000e+00> : vector<1000x128xf32>
    %dot_general3A_20 = tpu.matmul %add3A, %get3A_18, %dot_general3A_19 {dimension_numbers = #tpu.dot_dimension_numbers<[1], [0], [0], [1], [0, 0, 1, 1], [], []>, transpose_lhs_hint = false} : vector<1000x128xf32>, vector<128x128xf32>, vector<1000x128xf32> -> vector<1000x128xf32>
    %sub3A = arith.subf %dot_general3A_15, %dot_general3A_20 : vector<1000x128xf32>
    %get3A_21 = arith.constant 0 : index
    %get3A_22 = arith.constant 0 : index
    %get3A_23 = vector.load %arg5[%get3A_21, %get3A_22] : memref<1x128xf32, #tpu.memory_space<vmem>>, vector<1x128xf32>
    %add3A_24 = vector.broadcast %get3A_23 : vector<1x128xf32> to vector<1000x128xf32>
    %add3A_25 = arith.addf %sub3A, %add3A_24 : vector<1000x128xf32>
    %get3A_26 = arith.constant 0 : index
    %get3A_27 = arith.constant 0 : index
    %get3A_28 = vector.load %arg6[%get3A_26, %get3A_27] : memref<128x128xf32, #tpu.memory_space<vmem>>, vector<128x128xf32>
    %dot_general3A_29 = arith.constant dense<0.000000e+00> : vector<1000x128xf32>
    %dot_general3A_30 = tpu.matmul %add3A_25, %get3A_28, %dot_general3A_29 {dimension_numbers = #tpu.dot_dimension_numbers<[1], [0], [0], [1], [0, 0, 1, 1], [], []>, transpose_lhs_hint = false} : vector<1000x128xf32>, vector<128x128xf32>, vector<1000x128xf32> -> vector<1000x128xf32>
    %get3A_31 = arith.constant 0 : index
    %get3A_32 = arith.constant 0 : index
    %get3A_33 = vector.load %arg7[%get3A_31, %get3A_32] : memref<1x128xf32, #tpu.memory_space<vmem>>, vector<1x128xf32>
    %add3A_34 = vector.broadcast %get3A_33 : vector<1x128xf32> to vector<1000x128xf32>
    %add3A_35 = arith.addf %dot_general3A_30, %add3A_34 : vector<1000x128xf32>
    %max3A = arith.constant 0.000000e+00 : f32
    %max3A_36 = vector.broadcast %max3A : f32 to vector<1000x128xf32>
    %max3A_37 = arith.maximumf %add3A_35, %max3A_36 : vector<1000x128xf32>
    %get3A_38 = arith.constant 0 : index
    %get3A_39 = arith.constant 0 : index
    %get3A_40 = vector.load %arg8[%get3A_38, %get3A_39] : memref<128x128xf32, #tpu.memory_space<vmem>>, vector<128x128xf32>
    %dot_general3A_41 = arith.constant dense<0.000000e+00> : vector<1000x128xf32>
    %dot_general3A_42 = tpu.matmul %max3A_37, %get3A_40, %dot_general3A_41 {dimension_numbers = #tpu.dot_dimension_numbers<[1], [0], [0], [1], [0, 0, 1, 1], [], []>, transpose_lhs_hint = false} : vector<1000x128xf32>, vector<128x128xf32>, vector<1000x128xf32> -> vector<1000x128xf32>
    %get3A_43 = arith.constant 0 : index
    %get3A_44 = arith.constant 0 : index
    %get3A_45 = vector.load %arg9[%get3A_43, %get3A_44] : memref<1x128xf32, #tpu.memory_space<vmem>>, vector<1x128xf32>
    %add3A_46 = vector.broadcast %get3A_45 : vector<1x128xf32> to vector<1000x128xf32>
    %add3A_47 = arith.addf %dot_general3A_42, %add3A_46 : vector<1000x128xf32>
    %swap3A = arith.constant 0 : index
    %swap3A_48 = arith.constant 0 : index
    %swap3A_49 = vector.load %arg10[%swap3A, %swap3A_48] : memref<1000x128xf32, #tpu.memory_space<vmem>>, vector<1000x128xf32>
    tpu.vector_store %arg10[%swap3A, %swap3A_48], %add3A_47 {strides = array<i32>} : memref<1000x128xf32, #tpu.memory_space<vmem>>, vector<1000x128xf32>,
    return
  }
  func.func @transform_0(%arg0: i32) -> (i32, i32) {
    %c0_i32 = arith.constant 0 : i32
    %c0_i32_0 = arith.constant 0 : i32
    return %arg0, %c0_i32 : i32, i32
  }
  func.func @transform_1(%arg0: i32) -> (i32, i32, i32) {
    %c0_i32 = arith.constant 0 : i32
    %c0_i32_0 = arith.constant 0 : i32
    %c0_i32_1 = arith.constant 0 : i32
    return %c0_i32, %arg0, %c0_i32_0 : i32, i32, i32
  }
  func.func @transform_2(%arg0: i32) -> (i32, i32) {
    %c0_i32 = arith.constant 0 : i32
    %c0_i32_0 = arith.constant 0 : i32
    %c0_i32_1 = arith.constant 0 : i32
    return %c0_i32, %c0_i32_0 : i32, i32
  }
  func.func @transform_3(%arg0: i32) -> (i32, i32) {
    %c0_i32 = arith.constant 0 : i32
    %c0_i32_0 = arith.constant 0 : i32
    %c0_i32_1 = arith.constant 0 : i32
    return %c0_i32, %c0_i32_0 : i32, i32
  }
  func.func @transform_4(%arg0: i32) -> (i32, i32) {
    %c0_i32 = arith.constant 0 : i32
    %c0_i32_0 = arith.constant 0 : i32
    %c0_i32_1 = arith.constant 0 : i32
    return %c0_i32, %c0_i32_0 : i32, i32
  }
  func.func @transform_5(%arg0: i32) -> (i32, i32) {
    %c0_i32 = arith.constant 0 : i32
    %c0_i32_0 = arith.constant 0 : i32
    %c0_i32_1 = arith.constant 0 : i32
    return %c0_i32, %c0_i32_0 : i32, i32
  }
  func.func @transform_6(%arg0: i32) -> (i32, i32) {
    %c0_i32 = arith.constant 0 : i32
    %c0_i32_0 = arith.constant 0 : i32
    %c0_i32_1 = arith.constant 0 : i32
    return %c0_i32, %c0_i32_0 : i32, i32
  }
  func.func @transform_7(%arg0: i32) -> (i32, i32) {
    %c0_i32 = arith.constant 0 : i32
    %c0_i32_0 = arith.constant 0 : i32
    %c0_i32_1 = arith.constant 0 : i32
    return %c0_i32, %c0_i32_0 : i32, i32
  }
  func.func @transform_8(%arg0: i32) -> (i32, i32) {
    %c0_i32 = arith.constant 0 : i32
    %c0_i32_0 = arith.constant 0 : i32
    %c0_i32_1 = arith.constant 0 : i32
    return %c0_i32, %c0_i32_0 : i32, i32
  }
  func.func @transform_9(%arg0: i32) -> (i32, i32) {
    %c0_i32 = arith.constant 0 : i32
    %c0_i32_0 = arith.constant 0 : i32
    return %arg0, %c0_i32 : i32, i32
  }
}

module attributes {stable_mosaic.version = 14 : i64} {
  func.func @_tc_edge_body(%arg0: i32, %arg1: memref<640x128xf32, #tpu.memory_space<vmem>>, %arg2: memref<640x128xf32, #tpu.memory_space<vmem>>, %arg3: memref<640x128xf32, #tpu.memory_space<vmem>>, %arg4: memref<1x5x128xf32, #tpu.memory_space<vmem>>, %arg5: memref<128x256xf32, #tpu.memory_space<vmem>>, %arg6: memref<1x128xf32, #tpu.memory_space<vmem>>, %arg7: memref<128x128xf32, #tpu.memory_space<vmem>>, %arg8: memref<1x128xf32, #tpu.memory_space<vmem>>, %arg9: memref<128x128xf32, #tpu.memory_space<vmem>>, %arg10: memref<1x128xf32, #tpu.memory_space<vmem>>, %arg11: memref<640x128xf32, #tpu.memory_space<vmem>>) attributes {dimension_semantics = [#tpu.dimension_semantics<arbitrary>], iteration_bounds = array<i64: 500>, scalar_prefetch = 0 : i64, scratch_operands = 0 : i64, tpu.core_type = #tpu.core_type<tc>, window_params = [{transform_indices = @transform_0, window_bounds = array<i64: 640, 128>}, {transform_indices = @transform_1, window_bounds = array<i64: 640, 128>}, {transform_indices = @transform_2, window_bounds = array<i64: 640, 128>}, {transform_indices = @transform_3, window_bounds = array<i64: 1, 5, 128>}, {pipeline_mode = #tpu.pipeline_mode<synchronous>, transform_indices = @transform_4, window_bounds = array<i64: 128, 256>}, {pipeline_mode = #tpu.pipeline_mode<synchronous>, transform_indices = @transform_5, window_bounds = array<i64: 1, 128>}, {pipeline_mode = #tpu.pipeline_mode<synchronous>, transform_indices = @transform_6, window_bounds = array<i64: 128, 128>}, {pipeline_mode = #tpu.pipeline_mode<synchronous>, transform_indices = @transform_7, window_bounds = array<i64: 1, 128>}, {pipeline_mode = #tpu.pipeline_mode<synchronous>, transform_indices = @transform_8, window_bounds = array<i64: 128, 128>}, {pipeline_mode = #tpu.pipeline_mode<synchronous>, transform_indices = @transform_9, window_bounds = array<i64: 1, 128>}, {transform_indices = @transform_10, window_bounds = array<i64: 640, 128>}]} {
    %get3A = arith.constant 0 : index
    %get3A_0 = arith.constant 0 : index
    %get3A_1 = vector.load %arg1[%get3A, %get3A_0] : memref<640x128xf32, #tpu.memory_space<vmem>>, vector<640x128xf32>
    %get3A_2 = arith.constant 0 : index
    %get3A_3 = arith.constant 0 : index
    %get3A_4 = vector.load %arg5[%get3A_2, %get3A_3] : memref<128x256xf32, #tpu.memory_space<vmem>>, vector<128x256xf32>
    %dot_general3A = arith.constant dense<0.000000e+00> : vector<640x256xf32>
    %dot_general3A_5 = tpu.matmul %get3A_1, %get3A_4, %dot_general3A {dimension_numbers = #tpu.dot_dimension_numbers<[1], [0], [0], [1], [0, 0, 1, 1], [], []>, transpose_lhs_hint = false} : vector<640x128xf32>, vector<128x256xf32>, vector<640x256xf32> -> vector<640x256xf32>
    %get3A_6 = arith.constant 0 : index
    %get3A_7 = arith.constant 0 : index
    %get3A_8 = arith.constant 0 : index
    %get3A_9 = vector.load %arg4[%get3A_6, %get3A_7, %get3A_8] : memref<1x5x128xf32, #tpu.memory_space<vmem>>, vector<1x5x128xf32>
    %get3A_10 = vector.shape_cast %get3A_9 : vector<1x5x128xf32> to vector<5x128xf32>
    %iota3A = tpu.iota {dimensions = array<i32: 0>} : vector<128x128xi32>
    %iota3A_11 = tpu.iota {dimensions = array<i32: 1>} : vector<128x128xi32>
    %eq3A = arith.cmpi eq, %iota3A, %iota3A_11 : vector<128x128xi32>
    %convert_element_type3A = arith.extui %eq3A : vector<128x128xi1> to vector<128x128xi32>
    %convert_element_type3A_12 = arith.sitofp %convert_element_type3A : vector<128x128xi32> to vector<128x128xf32>
    %slice3A = vector.extract_strided_slice %get3A_10 {offsets = [0, 0], sizes = [1, 128], strides = [1, 1]} : vector<5x128xf32> to vector<1x128xf32>
    %broadcast_in_dim3A = vector.shape_cast %slice3A : vector<1x128xf32> to vector<1x128xf32>
    %broadcast_in_dim3A_13 = vector.broadcast %broadcast_in_dim3A : vector<1x128xf32> to vector<128x128xf32>
    %mul3A = arith.mulf %broadcast_in_dim3A_13, %convert_element_type3A_12 : vector<128x128xf32>
    %reduce_sum3A = arith.constant dense<0.000000e+00> : vector<128xf32>
    %reduce_sum3A_14 = vector.multi_reduction <add>, %mul3A, %reduce_sum3A [1] : vector<128x128xf32> to vector<128xf32>
    %broadcast_in_dim3A_15 = vector.shape_cast %reduce_sum3A_14 : vector<128xf32> to vector<128x1xf32>
    %slice3A_16 = vector.extract_strided_slice %get3A_10 {offsets = [1, 0], sizes = [1, 128], strides = [1, 1]} : vector<5x128xf32> to vector<1x128xf32>
    %broadcast_in_dim3A_17 = vector.shape_cast %slice3A_16 : vector<1x128xf32> to vector<1x128xf32>
    %broadcast_in_dim3A_18 = vector.broadcast %broadcast_in_dim3A_17 : vector<1x128xf32> to vector<128x128xf32>
    %mul3A_19 = arith.mulf %broadcast_in_dim3A_18, %convert_element_type3A_12 : vector<128x128xf32>
    %reduce_sum3A_20 = arith.constant dense<0.000000e+00> : vector<128xf32>
    %reduce_sum3A_21 = vector.multi_reduction <add>, %mul3A_19, %reduce_sum3A_20 [1] : vector<128x128xf32> to vector<128xf32>
    %broadcast_in_dim3A_22 = vector.shape_cast %reduce_sum3A_21 : vector<128xf32> to vector<128x1xf32>
    %slice3A_23 = vector.extract_strided_slice %get3A_10 {offsets = [2, 0], sizes = [1, 128], strides = [1, 1]} : vector<5x128xf32> to vector<1x128xf32>
    %broadcast_in_dim3A_24 = vector.shape_cast %slice3A_23 : vector<1x128xf32> to vector<1x128xf32>
    %broadcast_in_dim3A_25 = vector.broadcast %broadcast_in_dim3A_24 : vector<1x128xf32> to vector<128x128xf32>
    %mul3A_26 = arith.mulf %broadcast_in_dim3A_25, %convert_element_type3A_12 : vector<128x128xf32>
    %reduce_sum3A_27 = arith.constant dense<0.000000e+00> : vector<128xf32>
    %reduce_sum3A_28 = vector.multi_reduction <add>, %mul3A_26, %reduce_sum3A_27 [1] : vector<128x128xf32> to vector<128xf32>
    %broadcast_in_dim3A_29 = vector.shape_cast %reduce_sum3A_28 : vector<128xf32> to vector<128x1xf32>
    %slice3A_30 = vector.extract_strided_slice %get3A_10 {offsets = [3, 0], sizes = [1, 128], strides = [1, 1]} : vector<5x128xf32> to vector<1x128xf32>
    %broadcast_in_dim3A_31 = vector.shape_cast %slice3A_30 : vector<1x128xf32> to vector<1x128xf32>
    %broadcast_in_dim3A_32 = vector.broadcast %broadcast_in_dim3A_31 : vector<1x128xf32> to vector<128x128xf32>
    %mul3A_33 = arith.mulf %broadcast_in_dim3A_32, %convert_element_type3A_12 : vector<128x128xf32>
    %reduce_sum3A_34 = arith.constant dense<0.000000e+00> : vector<128xf32>
    %reduce_sum3A_35 = vector.multi_reduction <add>, %mul3A_33, %reduce_sum3A_34 [1] : vector<128x128xf32> to vector<128xf32>
    %broadcast_in_dim3A_36 = vector.shape_cast %reduce_sum3A_35 : vector<128xf32> to vector<128x1xf32>
    %slice3A_37 = vector.extract_strided_slice %get3A_10 {offsets = [4, 0], sizes = [1, 128], strides = [1, 1]} : vector<5x128xf32> to vector<1x128xf32>
    %broadcast_in_dim3A_38 = vector.shape_cast %slice3A_37 : vector<1x128xf32> to vector<1x128xf32>
    %broadcast_in_dim3A_39 = vector.broadcast %broadcast_in_dim3A_38 : vector<1x128xf32> to vector<128x128xf32>
    %mul3A_40 = arith.mulf %broadcast_in_dim3A_39, %convert_element_type3A_12 : vector<128x128xf32>
    %reduce_sum3A_41 = arith.constant dense<0.000000e+00> : vector<128xf32>
    %reduce_sum3A_42 = vector.multi_reduction <add>, %mul3A_40, %reduce_sum3A_41 [1] : vector<128x128xf32> to vector<128xf32>
    %broadcast_in_dim3A_43 = vector.shape_cast %reduce_sum3A_42 : vector<128xf32> to vector<128x1xf32>
    %concatenate3A = tpu.concatenate %broadcast_in_dim3A_15, %broadcast_in_dim3A_22, %broadcast_in_dim3A_29, %broadcast_in_dim3A_36, %broadcast_in_dim3A_43 in 0 : vector<128x1xf32>, vector<128x1xf32>, vector<128x1xf32>, vector<128x1xf32>, vector<128x1xf32> -> vector<640x1xf32>
    %add3A = arith.constant 1.000000e+00 : f32
    %add3A_44 = vector.broadcast %add3A : f32 to vector<640x1xf32>
    %add3A_45 = arith.addf %add3A_44, %concatenate3A : vector<640x1xf32>
    %log3A = math.log %add3A_45 : vector<640x1xf32>
    %mul3A_46 = arith.constant 1.44269502 : f32
    %mul3A_47 = vector.broadcast %mul3A_46 : f32 to vector<640x1xf32>
    %mul3A_48 = arith.mulf %mul3A_47, %log3A : vector<640x1xf32>
    %add3A_49 = arith.constant 1.000000e+00 : f32
    %add3A_50 = vector.broadcast %add3A_49 : f32 to vector<640x1xf32>
    %add3A_51 = arith.addf %add3A_50, %mul3A_48 : vector<640x1xf32>
    %mul3A_52 = arith.constant 2.000000e+00 : f32
    %mul3A_53 = vector.broadcast %mul3A_52 : f32 to vector<640x1xf32>
    %mul3A_54 = arith.mulf %mul3A_53, %add3A_51 : vector<640x1xf32>
    %slice3A_55 = vector.extract_strided_slice %dot_general3A_5 {offsets = [0, 0], sizes = [640, 128], strides = [1, 1]} : vector<640x256xf32> to vector<640x128xf32>
    %slice3A_56 = vector.extract_strided_slice %dot_general3A_5 {offsets = [0, 128], sizes = [640, 128], strides = [1, 1]} : vector<640x256xf32> to vector<640x128xf32>
    %mul3A_57 = vector.broadcast %mul3A_54 : vector<640x1xf32> to vector<640x128xf32>
    %mul3A_58 = arith.mulf %mul3A_57, %slice3A_56 : vector<640x128xf32>
    %add3A_59 = arith.addf %slice3A_55, %mul3A_58 : vector<640x128xf32>
    %get3A_60 = arith.constant 0 : index
    %get3A_61 = arith.constant 0 : index
    %get3A_62 = vector.load %arg2[%get3A_60, %get3A_61] : memref<640x128xf32, #tpu.memory_space<vmem>>, vector<640x128xf32>
    %add3A_63 = arith.addf %add3A_59, %get3A_62 : vector<640x128xf32>
    %get3A_64 = arith.constant 0 : index
    %get3A_65 = arith.constant 0 : index
    %get3A_66 = vector.load %arg3[%get3A_64, %get3A_65] : memref<640x128xf32, #tpu.memory_space<vmem>>, vector<640x128xf32>
    %sub3A = arith.subf %add3A_63, %get3A_66 : vector<640x128xf32>
    %get3A_67 = arith.constant 0 : index
    %get3A_68 = arith.constant 0 : index
    %get3A_69 = vector.load %arg6[%get3A_67, %get3A_68] : memref<1x128xf32, #tpu.memory_space<vmem>>, vector<1x128xf32>
    %add3A_70 = vector.broadcast %get3A_69 : vector<1x128xf32> to vector<640x128xf32>
    %add3A_71 = arith.addf %sub3A, %add3A_70 : vector<640x128xf32>
    %get3A_72 = arith.constant 0 : index
    %get3A_73 = arith.constant 0 : index
    %get3A_74 = vector.load %arg7[%get3A_72, %get3A_73] : memref<128x128xf32, #tpu.memory_space<vmem>>, vector<128x128xf32>
    %dot_general3A_75 = arith.constant dense<0.000000e+00> : vector<640x128xf32>
    %dot_general3A_76 = tpu.matmul %add3A_71, %get3A_74, %dot_general3A_75 {dimension_numbers = #tpu.dot_dimension_numbers<[1], [0], [0], [1], [0, 0, 1, 1], [], []>, transpose_lhs_hint = false} : vector<640x128xf32>, vector<128x128xf32>, vector<640x128xf32> -> vector<640x128xf32>
    %get3A_77 = arith.constant 0 : index
    %get3A_78 = arith.constant 0 : index
    %get3A_79 = vector.load %arg8[%get3A_77, %get3A_78] : memref<1x128xf32, #tpu.memory_space<vmem>>, vector<1x128xf32>
    %add3A_80 = vector.broadcast %get3A_79 : vector<1x128xf32> to vector<640x128xf32>
    %add3A_81 = arith.addf %dot_general3A_76, %add3A_80 : vector<640x128xf32>
    %max3A = arith.constant 0.000000e+00 : f32
    %max3A_82 = vector.broadcast %max3A : f32 to vector<640x128xf32>
    %max3A_83 = arith.maximumf %add3A_81, %max3A_82 : vector<640x128xf32>
    %get3A_84 = arith.constant 0 : index
    %get3A_85 = arith.constant 0 : index
    %get3A_86 = vector.load %arg9[%get3A_84, %get3A_85] : memref<128x128xf32, #tpu.memory_space<vmem>>, vector<128x128xf32>
    %dot_general3A_87 = arith.constant dense<0.000000e+00> : vector<640x128xf32>
    %dot_general3A_88 = tpu.matmul %max3A_83, %get3A_86, %dot_general3A_87 {dimension_numbers = #tpu.dot_dimension_numbers<[1], [0], [0], [1], [0, 0, 1, 1], [], []>, transpose_lhs_hint = false} : vector<640x128xf32>, vector<128x128xf32>, vector<640x128xf32> -> vector<640x128xf32>
    %get3A_89 = arith.constant 0 : index
    %get3A_90 = arith.constant 0 : index
    %get3A_91 = vector.load %arg10[%get3A_89, %get3A_90] : memref<1x128xf32, #tpu.memory_space<vmem>>, vector<1x128xf32>
    %add3A_92 = vector.broadcast %get3A_91 : vector<1x128xf32> to vector<640x128xf32>
    %add3A_93 = arith.addf %dot_general3A_88, %add3A_92 : vector<640x128xf32>
    %swap3A = arith.constant 0 : index
    %swap3A_94 = arith.constant 0 : index
    %swap3A_95 = vector.load %arg11[%swap3A, %swap3A_94] : memref<640x128xf32, #tpu.memory_space<vmem>>, vector<640x128xf32>
    tpu.vector_store %arg11[%swap3A, %swap3A_94], %add3A_93 {strides = array<i32>} : memref<640x128xf32, #tpu.memory_space<vmem>>, vector<640x128xf32>,
    return
  }
  func.func @transform_0(%arg0: i32) -> (i32, i32) {
    %c0_i32 = arith.constant 0 : i32
    %c0_i32_0 = arith.constant 0 : i32
    return %arg0, %c0_i32 : i32, i32
  }
  func.func @transform_1(%arg0: i32) -> (i32, i32) {
    %c0_i32 = arith.constant 0 : i32
    %c0_i32_0 = arith.constant 0 : i32
    return %arg0, %c0_i32 : i32, i32
  }
  func.func @transform_2(%arg0: i32) -> (i32, i32) {
    %c0_i32 = arith.constant 0 : i32
    %c0_i32_0 = arith.constant 0 : i32
    return %arg0, %c0_i32 : i32, i32
  }
  func.func @transform_3(%arg0: i32) -> (i32, i32, i32) {
    %c0_i32 = arith.constant 0 : i32
    %c0_i32_0 = arith.constant 0 : i32
    %c0_i32_1 = arith.constant 0 : i32
    return %arg0, %c0_i32, %c0_i32_0 : i32, i32, i32
  }
  func.func @transform_4(%arg0: i32) -> (i32, i32) {
    %c0_i32 = arith.constant 0 : i32
    %c0_i32_0 = arith.constant 0 : i32
    %c0_i32_1 = arith.constant 0 : i32
    return %c0_i32, %c0_i32_0 : i32, i32
  }
  func.func @transform_5(%arg0: i32) -> (i32, i32) {
    %c0_i32 = arith.constant 0 : i32
    %c0_i32_0 = arith.constant 0 : i32
    %c0_i32_1 = arith.constant 0 : i32
    return %c0_i32, %c0_i32_0 : i32, i32
  }
  func.func @transform_6(%arg0: i32) -> (i32, i32) {
    %c0_i32 = arith.constant 0 : i32
    %c0_i32_0 = arith.constant 0 : i32
    %c0_i32_1 = arith.constant 0 : i32
    return %c0_i32, %c0_i32_0 : i32, i32
  }
  func.func @transform_7(%arg0: i32) -> (i32, i32) {
    %c0_i32 = arith.constant 0 : i32
    %c0_i32_0 = arith.constant 0 : i32
    %c0_i32_1 = arith.constant 0 : i32
    return %c0_i32, %c0_i32_0 : i32, i32
  }
  func.func @transform_8(%arg0: i32) -> (i32, i32) {
    %c0_i32 = arith.constant 0 : i32
    %c0_i32_0 = arith.constant 0 : i32
    %c0_i32_1 = arith.constant 0 : i32
    return %c0_i32, %c0_i32_0 : i32, i32
  }
  func.func @transform_9(%arg0: i32) -> (i32, i32) {
    %c0_i32 = arith.constant 0 : i32
    %c0_i32_0 = arith.constant 0 : i32
    %c0_i32_1 = arith.constant 0 : i32
    return %c0_i32, %c0_i32_0 : i32, i32
  }
  func.func @transform_10(%arg0: i32) -> (i32, i32) {
    %c0_i32 = arith.constant 0 : i32
    %c0_i32_0 = arith.constant 0 : i32
    return %arg0, %c0_i32 : i32, i32
  }
}

</mosaic_0001>

<sc_bundles>
// kernel: kernel.10.cloned.1.call-start
scs
__scs_entry_jumppad:
0x0: {  	(pc) =	sbr.rel $0x88, $3  }
0x1: {  	(tag) =	ssettag $0x0;
	lr =	simm.s32 $0x1  }
0x2: {  	[smem:$0x3F8F] =	sst lr;
	_ =	strace $0xD0000000  }
0x3: {  	_ = 	snop  }
0x4: {  	_ = 	snop  }
0x5: {  	_ = 	snop  }
0x6: {  	_ = 	snop  }
0x7: {  	_ = 	snop  }
__scs_overlays_trampoline_lowered:
0x8: {  	[smem:$0x3F9E] =	sst s0  }
0x9: {  	[smem:$0x3F9F] =	sst s1  }
0xa: {  	[smem:$0x3FA0] =	sst s2  }
0xb: {  	[smem:$0x3FA1] =	sst s3  }
0xc: {  	[smem:$0x3FA2] =	sst s4  }
0xd: {  	[smem:$0x3FA3] =	sst s5  }
0xe: {  	[smem:$0x3FA4] =	sst s6  }
0xf: {  	[smem:$0x3FA5] =	sst s7  }
0x10: {  	[smem:$0x3FA6] =	sst s8  }
0x11: {  	[smem:$0x3FA7] =	sst s9;
	s0 =	simm.s32 @!p0 $0x0  }
0x12: {  	s1 =	sld [smem:$0x3F8D];
	s0 =	simm.s32 @p0 $0x1  }
0x13: {  	[smem:$0x3FA8] =	sst s0;
	s0 =	simm.s32 @!p1 $0x0  }
0x14: {  	s2 =	sld [smem:$0x3F8C];
	s0 =	simm.s32 @p1 $0x1  }
0x15: {  	[smem:$0x3FA9] =	sst s0;
	s0 =	simm.s32 @!p2 $0x0  }
0x16: {  	s3 =	sld [smem:$0x3FDB];
	s0 =	simm.s32 @p2 $0x1  }
0x17: {  	s4 =	simm.s32 $0x1BF5;
	[smem:$0x3FAB] =	sst s0  }
0x18: {  	s0 =	sld [smem:$0x3F8E];
	_ =	swait.ge [sflag:s4], $0x0  }
0x19: {  	s7 =	sld [smem:$0x3F8F]  }
0x1a: {  	s8 =	sadd.s32 $0xFFFFE003, lr  }
0x1b: {  	s9 =	sadd.s32 $0xFFFFFEF7, lr;
	s5 =	simm.s32 $0xFFFFFFFF;
	p2 =	slt.u32 s8, $0xFFFFF086  }
0x1c: {  	p1 =	slt.u32 s9, $0xF7A;
	s5 =	simm.s32 @!p2 $0x0  }
0x1d: {  	s5 =	simm.s32 @p1 $0x1;
	p0 =	seq.s32 s7, s2  }
0x1e: {  	s7 =	smul.u32 @!p0 $0xF7A, s2;
	p2 =	seq.s32 @!p0 s5, $0x0  }
0x1f: {  	s9 =	smul.u32 $0xF7A, s1;
	s8 =	simm.s32 @!p0 $0x1BF5;
	p2 =	por !p2, p0  }
0x20: {  	[sflag:s8] =	ssyncset.s32 @!p0 $0xFFFFF086;
	s6 =	sadd.s32 @!p0 s3, s7;
	s7 =	simm.s32 @!p0 $0x108  }
0x21: {  	s3 =	sadd.s32 s3, s9;
	s6 =	sadd.s32 @!p0 $0x88, s6;
	s7 =	simm.s32 @p2 $0x1082  }
0x22: {  	[simem:s7], [sflag:s8] =	dma.local @!p0 [hbm:s6], $0xF7A  }
0x23: {  	s9 =	sor.u32 $0xD0000000, s2;
	s6 =	simm.s32 $0x108;
	_ =	swait.ge @!p0 [sflag:s8], $0x0  }
0x24: {  	s3 =	sadd.s32 $0x88, s3;
	s6 =	simm.s32 @!p1 $0x1082;
	[sflag:s4] =	ssyncset.s32 $0xFFFFF086  }
0x25: {  	[simem:s6], [sflag:s4] =	dma.local [hbm:s3], $0xF7A  }
0x26: {  	[smem:$0x3F8F] =	sst s1;
	(tag) =	ssettag s2;
	_ =	strace s9  }
0x27: {  	s1 =	sld [smem:$0x3F9F]  }
0x28: {  	s2 =	sld [smem:$0x3FA0]  }
0x29: {  	s4 =	sld [smem:$0x3FA2]  }
0x2a: {  	p0 =	seq.s32 s5, $0x0;
	s5 =	sld [smem:$0x3FA3]  }
0x2b: {  	s6 =	sld [smem:$0x3FA4]  }
0x2c: {  	s7 =	sld [smem:$0x3FA5]  }
0x2d: {  	s3 =	simm.s32 $0x108;
	s8 =	sld [smem:$0x3FA6]  }
0x2e: {  	s3 =	simm.s32 @!p0 $0x1082;
	s9 =	sld [smem:$0x3FA7]  }
0x2f: {  	lr =	sadd.s32 s0, s3;
	s0 =	sld [smem:$0x3F9E]  }
0x30: {  	s3 =	sld [smem:$0x3FA1]  }
0x31: {  	[smem:$0x3FAA] =	sst s10  }
0x32: {  	s10 =	sld [smem:$0x3FA8];
	_ =	sdelay $0x3  }
0x33: {  	p0 =	seq.s32 s10, $0x1;
	s10 =	sld [smem:$0x3FAA];
	_ =	sdelay $0x3  }
0x34: {  	[smem:$0x3FAA] =	sst s10  }
0x35: {  	s10 =	sld [smem:$0x3FA9];
	_ =	sdelay $0x3  }
0x36: {  	p1 =	seq.s32 s10, $0x1;
	s10 =	sld [smem:$0x3FAA];
	_ =	sdelay $0x3  }
0x37: {  	[smem:$0x3FAA] =	sst s10  }
0x38: {  	s10 =	sld [smem:$0x3FAB]  }
0x39: {  	_ = 	snop;
	(pc) =	sbr.ind lr, $3  }
0x3a: {  	_ = 	snop  }
0x3b: {  	_ = 	snop  }
0x3c: {  	p2 =	seq.s32 s10, $0x1;
	s10 =	sld [smem:$0x3FAA]  }
0x3d: {  	_ =	shalt  }
0x3e: {  	_ =	shalt  }
0x3f: {  	_ =	shalt  }
0x40: {  	_ =	shalt  }
0x41: {  	_ =	shalt  }
0x42: {  	_ =	shalt  }
0x43: {  	_ =	shalt  }
0x44: {  	_ =	shalt  }
0x45: {  	_ =	shalt  }
0x46: {  	_ =	shalt  }
0x47: {  	_ =	shalt  }
0x48: {  	_ =	shalt  }
0x49: {  	_ =	shalt  }
0x4a: {  	_ =	shalt  }
0x4b: {  	_ =	shalt  }
0x4c: {  	_ =	shalt  }
0x4d: {  	_ =	shalt  }
0x4e: {  	_ =	shalt  }
0x4f: {  	_ =	shalt  }
0x50: {  	_ =	shalt  }
0x51: {  	_ =	shalt  }
0x52: {  	_ =	shalt  }
0x53: {  	_ =	shalt  }
0x54: {  	_ =	shalt  }
0x55: {  	_ =	shalt  }
0x56: {  	_ =	shalt  }
0x57: {  	_ =	shalt  }
0x58: {  	_ =	shalt  }
0x59: {  	_ =	shalt  }
0x5a: {  	_ =	shalt  }
0x5b: {  	_ =	shalt  }
0x5c: {  	_ =	shalt  }
0x5d: {  	_ =	shalt  }
0x5e: {  	_ =	shalt  }
0x5f: {  	_ =	shalt  }
0x60: {  	_ =	shalt  }
0x61: {  	_ =	shalt  }
0x62: {  	_ =	shalt  }
0x63: {  	_ =	shalt  }
0x64: {  	_ =	shalt  }
0x65: {  	_ =	shalt  }
0x66: {  	_ =	shalt  }
0x67: {  	_ =	shalt  }
0x68: {  	_ =	shalt  }
0x69: {  	_ =	shalt  }
0x6a: {  	_ =	shalt  }
0x6b: {  	_ =	shalt  }
0x6c: {  	_ =	shalt  }
0x6d: {  	_ =	shalt  }
0x6e: {  	_ =	shalt  }
0x6f: {  	_ =	shalt  }
0x70: {  	_ =	shalt  }
0x71: {  	_ =	shalt  }
0x72: {  	_ =	shalt  }
0x73: {  	_ =	shalt  }
0x74: {  	_ =	shalt  }
0x75: {  	_ =	shalt  }
0x76: {  	_ =	shalt  }
0x77: {  	_ =	shalt  }
0x78: {  	_ =	shalt  }
0x79: {  	_ =	shalt  }
0x7a: {  	_ =	shalt  }
0x7b: {  	_ =	shalt  }
0x7c: {  	_ =	shalt  }
0x7d: {  	_ =	shalt  }
0x7e: {  	_ =	shalt  }
0x7f: {  	_ =	shalt  }
0x80: {  	_ =	shalt  }
0x81: {  	_ =	shalt  }
0x82: {  	_ =	shalt  }
0x83: {  	_ =	shalt  }
0x84: {  	_ =	shalt  }
0x85: {  	_ =	shalt  }
0x86: {  	_ =	shalt  }
0x87: {  	_ =	shalt  }
.Lfunc_end0:
.L_simem_size_0:
called_computation.1_lowered:
.L_overlay_start_0:
0x88: {  	s2 =	sld [smem:$0x3FD9]  }
0x89: {  	s3 =	sld [smem:$0x3FFE];
	_ =	sdelay $0x1  }
0x8a: {  	s1 =	srdreg.scid  }
0x8b: {  	s0 =	sand.u32 $0x1, s1  }
0x8c: {  	s16 =	sshll.u32 s0, $0xA;
	s2 =	sadd.s32 s3, s2  }
0x8d: {  	s2 =	sadd.s32 s2, s16  }
0x8e: {  	[smem:$0x3FB6] =	sst s2  }
0x8f: {  	_ = 	snop  }
0x90: {  	(tm) =	ssettm $0x1  }
0x91: {  	s17 =	sld [smem:$0x3FFB];
	_ =	sdelay $0x3  }
0x92: {  	_ =	strace s17  }
0x93: {  	s2 =	sld [smem:$0x3FFC];
	_ =	sdelay $0x3  }
0x94: {  	_ =	strace s2  }
0x95: {  	s2 =	sld [smem:$0x3FFD];
	_ =	sdelay $0x3  }
0x96: {  	_ =	strace s2  }
0x97: {  	_ =	strace $0x8FFFFFFF  }
0x98: {  	s18 =	sld [smem:$0x3FDB];
	_ =	sdelay $0x1  }
0x99: {  	s19 =	simm.s32 $_scs_section_size  }
0x9a: {  	s4 =	simm.s32 $_size__tile_overlayer_lowered;
	s5 =	simm.s32 $_tile_overlayer_lowered  }
0x9b: {  	s22 =	simm.s32 $0x1BFF;
	s21 =	sshll.u32 s5, $0x1;
	s2 =	sadd.s32 s19, s18  }
0x9c: {  	s6 =	simm.s32 $0x0;
	s20 =	sshll.u32 s4, $0x1;
	s4 =	sadd.s32 s21, s2  }
0x9d: {  	[timem:s6], [sflag:s22] =	dma.local [hbm:s4], s20  }
0x9e: {  	_ =	swait.ge [sflag:s22], s20  }
0x9f: {  	s3 =	ssub.s32 $0x0, s20;
	[sflag:s22] =	ssyncset.done $0x0  }
0xa0: {  	[sflag:s22] =	ssyncadd.s32 s3;
	_ =	sdelay $0x1  }
0xa1: {  	s23 =	simm.s32 $0x1B8B  }
0xa2: {  	_ =	swait.ge [sflag:s23], $0x1  }
0xa3: {  	[sflag:s23] =	ssyncset.done $0x0  }
0xa4: {  	s25 =	simm.s32 $0x1B8E;
	s24 =	sld [smem:$0x3FFE];
	[sflag:s23] =	ssyncadd.s32 $0xFFFFFFFF  }
0xa5: {  	s26 =	simm.s32 $execute0_lowered;
	[smem:$0x3FD2] =	sst s25  }
0xa6: {  	s4 =	sshll.u32 s26, $0x1;
	_ =	strace $0x80000049;
	[dreg:$0x1] =	wrdreg $0xFFFFFFFF  }
0xa7: {  	s28 =	simm.s32 $_size_execute0_lowered;
	s2 =	sadd.s32 s2, s4;
	[dreg:$0x0] =	wrdreg $0x0  }
0xa8: {  	s4 =	sshll.u32 s28, $0x1;
	[dreg:$0x2] =	wrdreg s2  }
0xa9: {  	[dreg:$0x3] =	wrdreg s4  }
0xaa: {  	[dreg:$0x4] =	wrdreg $0xC0  }
0xab: {  	_ =	task [dreg:s6], $0x5FFFF  }
0xac: {  	[dreg:$0x1] =	wrdreg $0xFFFFFFFF  }
0xad: {  	[dreg:$0x0] =	wrdreg $0x60  }
0xae: {  	[dreg:$0x2] =	wrdreg s24  }
0xaf: {  	[dreg:$0x3] =	wrdreg $0x9  }
0xb0: {  	_ =	task.clear_ibuf [dreg:s6], $0x4FFFF;
	_ =	strace $0x90000049  }
0xb1: {  	s29 =	simm.s32 $0x9;
	_ =	strace $0x8000004B  }
0xb2: {  	_ =	swait.ge [sflag:s29], $0x1  }
0xb3: {  	[sflag:s29] =	ssyncadd.s32 $0xFFFFFFFF  }
0xb4: {  	_ =	strace $0x9000004B  }
0xb5: {  	_ =	sfence  }
0xb6: {  	s30 =	sld [smem:$0x0];
	_ =	sdelay $0x2  }
0xb7: {  	s31 =	sshll.u32 s1, $0xD;
	s1 =	sshrl.u32 s1, $0x2  }
0xb8: {  	s3 =	sand.u32 $0x4000, s31;
	s1 =	sadd.s32 s1, s30  }
0xb9: {  	s0 =	sor.u32 s3, s0;
	s1 =	sshll.u32 s1, $0x11  }
0xba: {  	s0 =	sor.u32 s1, s0  }
0xbb: {  	s0 =	sadd.s32 $0x8F2B, s0  }
0xbc: {  	[sflag:s0] =	ssyncadd.remote.s32 $0x1  }
0xbd: {  	_ =	sfence.sel $0xFFFF  }
0xbe: {  	[dreg:$0x0] =	wrdreg $0xFFFFFFFF;
	(pc) =	sbr.abs _section_cstart, $3  }
0xbf: {  	[dreg:$0x1] =	wrdreg $0xFFFFFFFF  }
0xc0: {  	_ =	task.clear_ibuf [dreg:s6], $0x2FFFF;
	_ =	strace $0x9FFFFFFF  }
0xc1: {  	(tm) =	ssettm $0x7FFFFFFF  }
tec
execute0_lowered:
.L_overlay_start_1:
0x0: {  	(tag) =	ssettag $0x1  }
0x1: {  	s7 =	rddreg [dreg:$0x0]  }
0x2: {  	s0 =	rddreg [dreg:$0x1];
	s1 =	simm.s32 $0x0  }
0x3: {  	s6 =	srdreg.scid;
	s2 =	stileid.u32;
	s14 =	simm.s32 $0x8180  }
0x4: {  	s15 =	simm.s32 $0x3;
	s16 =	simm.s32 $0xA980;
	s17 =	simm.s32 $0x4  }
0x5: {  	s18 =	simm.s32 $0x80;
	s19 =	simm.s32 $0x100;
	s20 =	simm.s32 $0x4100  }
0x6: {  	s21 =	simm.s32 $0x1;
	s22 =	simm.s32 $0x2;
	s23 =	simm.s32 $0x8100  }
0x7: {  	s24 =	simm.s32 $0x0;
	[smem:$0x7FF] =	sst s1;
	s3 =	sadd.s32 $0x18A00, s7  }
0x8: {  	s4 =	sadd.s32 $0x3FC00, s7;
	s5 =	sadd.s32 $0x18000, s7;
	s8 =	sand.u32 $0x1, s6  }
0x9: {  	s26 =	sshll.u32 s2, $0x5;
	s9 =	sshll.u32 s2, $0xC;
	s6 =	sshll.u32 s2, $0x1  }
0xa: {  	_ =	strace $0x8000004A;
	s10 =	ssub.s32 $0x2, s8;
	s11 =	sadd.s32 s26, s7  }
.Ltmp0:
0xb: {  	s12 =	sadd.s32 s9, s7;
	s30 =	sshll.u32 s8, $0x4;
	(pc) =	sbr.rel .LBB2_1-.Ltmp0, $4  }
0xc: {  	s7 =	sadd.s32 $0x18500, s7;
	s31 =	sshll.u32 s8, $0xB;
	s28 =	sshrl.u32 s10, $0x1  }
0xd: {  	s11 =	sadd.s32 s30, s11;
	s13 =	sadd.s32 s31, s12;
	s29 =	ssub.s32 s10, s28  }
0xe: {  	s9 =	sadd.s32 $0x66E00, s11;
	s10 =	sadd.s32 $0x4000, s11;
	s11 =	sadd.s32 $0xDE00, s11  }
0xf: {  	s12 =	sadd.s32 $0x552C00, s13;
	s13 =	sadd.s32 $0x70C00, s13;
	s8 =	smax.u32 s29, $0x1  }
.LBB2_5:
0x10: {  	s24 =	sadd.s32 $0x1, s24  }
0x11: {  	p0 =	sne.s32 s24, s8  }
.Ltmp1:
0x12: {  	_ = 	snop;
	(pc) =	sbr.rel @!p0 .LBB2_6-.Ltmp1, $1  }
0x13: {  	_ =	sdelay $0x3  }
.LBB2_1:
0x14: {  	[tilespmem:s14], [sflag:$0x3] =	stream.linear.gather [hbm4b:s5+s1], $0x2800, $0x38;
	[tilespmem:$0xD180] =	vst v63  }
0x15: {  	_ =	swait.ge [sflag:s15], $0x2800  }
0x16: {  	[sflag:s15] =	ssyncset.done $0x0  }
.Ltmp2:
0x17: {  	[sflag:s15] =	ssyncadd.s32 $0xFFFFD800;
	(pc) =	sbr.rel .LBB2_2-.Ltmp2, $4  }
0x18: {  	[tilespmem:s16], [sflag:$0x3] =	stream.linear.gather [hbm4b:s7+s1], $0x2800, $0x38;
	[tilespmem:$0xD180] =	vst v63  }
0x19: {  	_ =	swait.ge [sflag:s15], $0x2800  }
0x1a: {  	s25 =	smov.u32 s6;
	s26 =	smov.u32 s13;
	[sflag:s15] =	ssyncset.done $0x0  }
0x1b: {  	s28 =	smov.u32 s12;
	s29 =	simm.s32 $0x0;
	[sflag:s15] =	ssyncadd.s32 $0xFFFFD800  }
.LBB2_4:
0x1c: {  	s29 =	sadd.s32 $0x200, s29  }
0x1d: {  	p0 =	sne.s32 s29, $0x9E00  }
.Ltmp3:
0x1e: {  	_ = 	snop;
	(pc) =	sbr.rel @!p0 .LBB2_5-.Ltmp3, $2  }
0x1f: {  	_ =	sdelay $0x2  }
0x20: {  	s28 =	sadd.s32 $0x10000, s28;
	s26 =	sadd.s32 $0x10000, s26;
	s25 =	sadd.s32 $0x20, s25  }
.LBB2_2:
0x21: {  	p0 =	sgt.u32 s25, $0x9C3  }
.Ltmp4:
0x22: {  	_ = 	snop;
	(pc) =	sbr.rel @p0 .LBB2_4-.Ltmp4, $1  }
0x23: {  	_ =	sdelay $0x3  }
0x24: {  	s30 =	sadd.s32 s29, s11  }
0x25: {  	[tilespmem:s1], [sflag:$0x4] =	stream.linear.gather [hbm4b:s30+s1], $0x80, $0x38;
	[tilespmem:$0xD180] =	vst v63  }
0x26: {  	_ =	swait.ge [sflag:s17], $0x80  }
0x27: {  	[sflag:s17] =	ssyncset.done $0x0  }
0x28: {  	s31 =	sadd.s32 s29, s10;
	[sflag:s17] =	ssyncadd.s32 $0xFFFFFF80  }
0x29: {  	[tilespmem:s18], [sflag:$0x4] =	stream.linear.gather [hbm4b:s31+s1], $0x80, $0x38;
	[tilespmem:$0xD180] =	vst v63  }
0x2a: {  	_ =	swait.ge [sflag:s17], $0x80  }
0x2b: {  	[sflag:s17] =	ssyncset.done $0x0  }
0x2c: {  	[sflag:s17] =	ssyncadd.s32 $0xFFFFFF80  }
0x2d: {  	[tilespmem:s19], [sflag:$0x1] =	stream.indirect.gather [hbm4b:s3+s18], $0x80, s1, s18, $0xb8;
	[tilespmem:$0xD180] =	vst v63  }
0x2e: {  	_ = 	snop  }
0x2f: {  	[tilespmem:s20], [sflag:$0x2] =	stream.indirect.gather [hbm4b:s4+s18], $0x80, s18, s18, $0xb8;
	[tilespmem:$0xD180] =	vst v63  }
0x30: {  	v0 =	vld [tilespmem:$0x0];
	_ =	sdelay $0x6  }
0x31: {  	v2 =	vld [tilespmem:$0x10]  }
0x32: {  	v1 =	vld.idx.msk [tilespmem:v0+s14+$0x0], $0xffff  }
0x33: {  	v0 =	vld.idx.msk [tilespmem:v0+s16+$0x0], $0xffff;
	_ =	sdelay $0x4  }
0x34: {  	v0 =	vadd.f32 v0, v1;
	_ =	sdelay $0x1  }
0x35: {  	v52 =	vld [tilespmem:$0x20];
	[tilespmem:$0x8100] =	vst v0  }
0x36: {  	v0 =	vld.idx.msk [tilespmem:v2+s14+$0x0], $0xffff  }
0x37: {  	v51 =	vld.idx.msk [tilespmem:v2+s16+$0x0], $0xffff;
	_ =	sdelay $0x4  }
0x38: {  	v0 =	vadd.f32 v51, v0;
	_ =	sdelay $0x1  }
0x39: {  	v54 =	vld [tilespmem:$0x30];
	[tilespmem:$0x8110] =	vst v0  }
0x3a: {  	v0 =	vld.idx.msk [tilespmem:v52+s14+$0x0], $0xffff  }
0x3b: {  	v53 =	vld.idx.msk [tilespmem:v52+s16+$0x0], $0xffff;
	_ =	sdelay $0x4  }
0x3c: {  	v0 =	vadd.f32 v53, v0;
	_ =	sdelay $0x1  }
0x3d: {  	v56 =	vld [tilespmem:$0x40];
	[tilespmem:$0x8120] =	vst v0  }
0x3e: {  	v0 =	vld.idx.msk [tilespmem:v54+s14+$0x0], $0xffff  }
0x3f: {  	v55 =	vld.idx.msk [tilespmem:v54+s16+$0x0], $0xffff;
	_ =	sdelay $0x4  }
0x40: {  	v0 =	vadd.f32 v55, v0;
	_ =	sdelay $0x1  }
0x41: {  	v58 =	vld [tilespmem:$0x50];
	[tilespmem:$0x8130] =	vst v0  }
0x42: {  	v0 =	vld.idx.msk [tilespmem:v56+s14+$0x0], $0xffff  }
0x43: {  	v57 =	vld.idx.msk [tilespmem:v56+s16+$0x0], $0xffff;
	_ =	sdelay $0x4  }
0x44: {  	v0 =	vadd.f32 v57, v0;
	_ =	sdelay $0x1  }
0x45: {  	v60 =	vld [tilespmem:$0x60];
	[tilespmem:$0x8140] =	vst v0  }
0x46: {  	v0 =	vld.idx.msk [tilespmem:v58+s14+$0x0], $0xffff  }
0x47: {  	v59 =	vld.idx.msk [tilespmem:v58+s16+$0x0], $0xffff;
	_ =	sdelay $0x4  }
0x48: {  	v0 =	vadd.f32 v59, v0;
	_ =	sdelay $0x1  }
0x49: {  	v62 =	vld [tilespmem:$0x70];
	[tilespmem:$0x8150] =	vst v0  }
0x4a: {  	v0 =	vld.idx.msk [tilespmem:v60+s14+$0x0], $0xffff  }
0x4b: {  	v61 =	vld.idx.msk [tilespmem:v60+s16+$0x0], $0xffff;
	_ =	sdelay $0x4  }
0x4c: {  	v0 =	vadd.f32 v61, v0;
	_ =	sdelay $0x1  }
0x4d: {  	[tilespmem:$0x8160] =	vst v0  }
0x4e: {  	v0 =	vld.idx.msk [tilespmem:v62+s14+$0x0], $0xffff  }
0x4f: {  	v63 =	vld.idx.msk [tilespmem:v62+s16+$0x0], $0xffff;
	_ =	sdelay $0x4  }
0x50: {  	v0 =	vadd.f32 v63, v0;
	_ =	sdelay $0x1  }
0x51: {  	[tilespmem:$0x8170] =	vst v0  }
0x52: {  	_ =	swait.ge [sflag:s21], $0x4000  }
0x53: {  	[sflag:s21] =	ssyncset.done $0x0  }
0x54: {  	[sflag:s21] =	ssyncadd.s32 $0xFFFFC000  }
0x55: {  	[hbm4b:s26+s1] =	stream.linear.scatter [tilespmem:s19], [sflag:$0x4], $0x4000, $0x38;
	[tilespmem:$0xD180] =	vst v63  }
0x56: {  	_ =	swait.ge [sflag:s17], $0x4000  }
0x57: {  	[sflag:s17] =	ssyncset.done $0x0  }
0x58: {  	[sflag:s17] =	ssyncadd.s32 $0xFFFFC000  }
0x59: {  	_ =	swait.ge [sflag:s22], $0x4000  }
0x5a: {  	[sflag:s22] =	ssyncset.done $0x0  }
0x5b: {  	[sflag:s22] =	ssyncadd.s32 $0xFFFFC000  }
0x5c: {  	[hbm4b:s28+s1] =	stream.linear.scatter [tilespmem:s20], [sflag:$0x4], $0x4000, $0x38;
	[tilespmem:$0xD180] =	vst v63  }
0x5d: {  	_ =	swait.ge [sflag:s17], $0x4000  }
0x5e: {  	[sflag:s17] =	ssyncset.done $0x0  }
.Ltmp5:
0x5f: {  	s31 =	sadd.s32 s29, s9;
	[sflag:s17] =	ssyncadd.s32 $0xFFFFC000;
	(pc) =	sbr.rel .LBB2_4-.Ltmp5, $4  }
0x60: {  	[hbm4b:s31+s1] =	stream.linear.scatter [tilespmem:s23], [sflag:$0x3], $0x80, $0x38;
	[tilespmem:$0xD180] =	vst v63  }
0x61: {  	_ =	swait.ge [sflag:s15], $0x80  }
0x62: {  	[sflag:s15] =	ssyncset.done $0x0  }
0x63: {  	[sflag:s15] =	ssyncadd.s32 $0xFFFFFF80  }
.LBB2_6:
0x64: {  	_ =	sfence.sel $0x180000  }
0x65: {  	[bflag:$0x0] =	sbarrier.arrive $0xFFFF  }
0x66: {  	p0 =	sne.s32 s2, $0x0;
	_ =	strace $0x9000004A  }
0x67: {  	s0 =	sadd.s32 @!p0 $0x100000, s0;
	[bflag:$0x2] =	sbarrier.arrive $0xFFFF  }
0x68: {  	[sflag:s0] =	ssyncadd.tile.s32 @!p0 $0x1;
	_ =	shalt  }
.Lfunc_end2:
_tile_overlayer_lowered:
.L_overlay_start_2:
0x69: {  	(tag) =	ssettag $0x2  }
0x6a: {  	s0 =	rddreg [dreg:$0x0];
	s2 =	stileid.u32  }
0x6b: {  	s1 =	rddreg [dreg:$0x1];
	p0 =	sne.s32 s2, $0x0  }
0x6c: {  	s3 =	rddreg [dreg:$0x2];
	[bflag:$0x3] =	sbarrier.arrive $0xFFFF;
	s2 =	simm.s32 @!p0 $0x1C03  }
0x6d: {  	[timem:s3], [sflag:s2] =	dma.local @!p0 [hbm:s0], s1  }
0x6e: {  	s0 =	simm.s32 @!p0 $0x3  }
0x6f: {  	_ =	swait.ge @!p0 [sflag:s0], s1  }
0x70: {  	s1 =	ssub.s32 @!p0 $0x0, s1;
	[sflag:s0] =	ssyncset.done @!p0 $0x0  }
0x71: {  	[sflag:s0] =	ssyncadd.s32 @!p0 s1  }
0x72: {  	[bflag:$0x3] =	sbarrier.arrive $0xFFFF  }
0x73: {  	_ =	shalt  }

// kernel: kernel.7.cloned.1.call-start
scs
__scs_entry_jumppad:
0x0: {  	(pc) =	sbr.rel $0x88, $3  }
0x1: {  	(tag) =	ssettag $0x0;
	lr =	simm.s32 $0x1  }
0x2: {  	[smem:$0x3F8F] =	sst lr;
	_ =	strace $0xD0000000  }
0x3: {  	_ = 	snop  }
0x4: {  	_ = 	snop  }
0x5: {  	_ = 	snop  }
0x6: {  	_ = 	snop  }
0x7: {  	_ = 	snop  }
__scs_overlays_trampoline_lowered:
0x8: {  	[smem:$0x3F9E] =	sst s0  }
0x9: {  	[smem:$0x3F9F] =	sst s1  }
0xa: {  	[smem:$0x3FA0] =	sst s2  }
0xb: {  	[smem:$0x3FA1] =	sst s3  }
0xc: {  	[smem:$0x3FA2] =	sst s4  }
0xd: {  	[smem:$0x3FA3] =	sst s5  }
0xe: {  	[smem:$0x3FA4] =	sst s6  }
0xf: {  	[smem:$0x3FA5] =	sst s7  }
0x10: {  	[smem:$0x3FA6] =	sst s8  }
0x11: {  	[smem:$0x3FA7] =	sst s9;
	s0 =	simm.s32 @!p0 $0x0  }
0x12: {  	s1 =	sld [smem:$0x3F8D];
	s0 =	simm.s32 @p0 $0x1  }
0x13: {  	[smem:$0x3FA8] =	sst s0;
	s0 =	simm.s32 @!p1 $0x0  }
0x14: {  	s2 =	sld [smem:$0x3F8C];
	s0 =	simm.s32 @p1 $0x1  }
0x15: {  	[smem:$0x3FA9] =	sst s0;
	s0 =	simm.s32 @!p2 $0x0  }
0x16: {  	s3 =	sld [smem:$0x3FDB];
	s0 =	simm.s32 @p2 $0x1  }
0x17: {  	s4 =	simm.s32 $0x1BF5;
	[smem:$0x3FAB] =	sst s0  }
0x18: {  	s0 =	sld [smem:$0x3F8E];
	_ =	swait.ge [sflag:s4], $0x0  }
0x19: {  	s7 =	sld [smem:$0x3F8F]  }
0x1a: {  	s8 =	sadd.s32 $0xFFFFE003, lr  }
0x1b: {  	s9 =	sadd.s32 $0xFFFFFEF7, lr;
	s5 =	simm.s32 $0xFFFFFFFF;
	p2 =	slt.u32 s8, $0xFFFFF086  }
0x1c: {  	p1 =	slt.u32 s9, $0xF7A;
	s5 =	simm.s32 @!p2 $0x0  }
0x1d: {  	s5 =	simm.s32 @p1 $0x1;
	p0 =	seq.s32 s7, s2  }
0x1e: {  	s7 =	smul.u32 @!p0 $0xF7A, s2;
	p2 =	seq.s32 @!p0 s5, $0x0  }
0x1f: {  	s9 =	smul.u32 $0xF7A, s1;
	s8 =	simm.s32 @!p0 $0x1BF5;
	p2 =	por !p2, p0  }
0x20: {  	[sflag:s8] =	ssyncset.s32 @!p0 $0xFFFFF086;
	s6 =	sadd.s32 @!p0 s3, s7;
	s7 =	simm.s32 @!p0 $0x108  }
0x21: {  	s3 =	sadd.s32 s3, s9;
	s6 =	sadd.s32 @!p0 $0x88, s6;
	s7 =	simm.s32 @p2 $0x1082  }
0x22: {  	[simem:s7], [sflag:s8] =	dma.local @!p0 [hbm:s6], $0xF7A  }
0x23: {  	s9 =	sor.u32 $0xD0000000, s2;
	s6 =	simm.s32 $0x108;
	_ =	swait.ge @!p0 [sflag:s8], $0x0  }
0x24: {  	s3 =	sadd.s32 $0x88, s3;
	s6 =	simm.s32 @!p1 $0x1082;
	[sflag:s4] =	ssyncset.s32 $0xFFFFF086  }
0x25: {  	[simem:s6], [sflag:s4] =	dma.local [hbm:s3], $0xF7A  }
0x26: {  	[smem:$0x3F8F] =	sst s1;
	(tag) =	ssettag s2;
	_ =	strace s9  }
0x27: {  	s1 =	sld [smem:$0x3F9F]  }
0x28: {  	s2 =	sld [smem:$0x3FA0]  }
0x29: {  	s4 =	sld [smem:$0x3FA2]  }
0x2a: {  	p0 =	seq.s32 s5, $0x0;
	s5 =	sld [smem:$0x3FA3]  }
0x2b: {  	s6 =	sld [smem:$0x3FA4]  }
0x2c: {  	s7 =	sld [smem:$0x3FA5]  }
0x2d: {  	s3 =	simm.s32 $0x108;
	s8 =	sld [smem:$0x3FA6]  }
0x2e: {  	s3 =	simm.s32 @!p0 $0x1082;
	s9 =	sld [smem:$0x3FA7]  }
0x2f: {  	lr =	sadd.s32 s0, s3;
	s0 =	sld [smem:$0x3F9E]  }
0x30: {  	s3 =	sld [smem:$0x3FA1]  }
0x31: {  	[smem:$0x3FAA] =	sst s10  }
0x32: {  	s10 =	sld [smem:$0x3FA8];
	_ =	sdelay $0x3  }
0x33: {  	p0 =	seq.s32 s10, $0x1;
	s10 =	sld [smem:$0x3FAA];
	_ =	sdelay $0x3  }
0x34: {  	[smem:$0x3FAA] =	sst s10  }
0x35: {  	s10 =	sld [smem:$0x3FA9];
	_ =	sdelay $0x3  }
0x36: {  	p1 =	seq.s32 s10, $0x1;
	s10 =	sld [smem:$0x3FAA];
	_ =	sdelay $0x3  }
0x37: {  	[smem:$0x3FAA] =	sst s10  }
0x38: {  	s10 =	sld [smem:$0x3FAB]  }
0x39: {  	_ = 	snop;
	(pc) =	sbr.ind lr, $3  }
0x3a: {  	_ = 	snop  }
0x3b: {  	_ = 	snop  }
0x3c: {  	p2 =	seq.s32 s10, $0x1;
	s10 =	sld [smem:$0x3FAA]  }
0x3d: {  	_ =	shalt  }
0x3e: {  	_ =	shalt  }
0x3f: {  	_ =	shalt  }
0x40: {  	_ =	shalt  }
0x41: {  	_ =	shalt  }
0x42: {  	_ =	shalt  }
0x43: {  	_ =	shalt  }
0x44: {  	_ =	shalt  }
0x45: {  	_ =	shalt  }
0x46: {  	_ =	shalt  }
0x47: {  	_ =	shalt  }
0x48: {  	_ =	shalt  }
0x49: {  	_ =	shalt  }
0x4a: {  	_ =	shalt  }
0x4b: {  	_ =	shalt  }
0x4c: {  	_ =	shalt  }
0x4d: {  	_ =	shalt  }
0x4e: {  	_ =	shalt  }
0x4f: {  	_ =	shalt  }
0x50: {  	_ =	shalt  }
0x51: {  	_ =	shalt  }
0x52: {  	_ =	shalt  }
0x53: {  	_ =	shalt  }
0x54: {  	_ =	shalt  }
0x55: {  	_ =	shalt  }
0x56: {  	_ =	shalt  }
0x57: {  	_ =	shalt  }
0x58: {  	_ =	shalt  }
0x59: {  	_ =	shalt  }
0x5a: {  	_ =	shalt  }
0x5b: {  	_ =	shalt  }
0x5c: {  	_ =	shalt  }
0x5d: {  	_ =	shalt  }
0x5e: {  	_ =	shalt  }
0x5f: {  	_ =	shalt  }
0x60: {  	_ =	shalt  }
0x61: {  	_ =	shalt  }
0x62: {  	_ =	shalt  }
0x63: {  	_ =	shalt  }
0x64: {  	_ =	shalt  }
0x65: {  	_ =	shalt  }
0x66: {  	_ =	shalt  }
0x67: {  	_ =	shalt  }
0x68: {  	_ =	shalt  }
0x69: {  	_ =	shalt  }
0x6a: {  	_ =	shalt  }
0x6b: {  	_ =	shalt  }
0x6c: {  	_ =	shalt  }
0x6d: {  	_ =	shalt  }
0x6e: {  	_ =	shalt  }
0x6f: {  	_ =	shalt  }
0x70: {  	_ =	shalt  }
0x71: {  	_ =	shalt  }
0x72: {  	_ =	shalt  }
0x73: {  	_ =	shalt  }
0x74: {  	_ =	shalt  }
0x75: {  	_ =	shalt  }
0x76: {  	_ =	shalt  }
0x77: {  	_ =	shalt  }
0x78: {  	_ =	shalt  }
0x79: {  	_ =	shalt  }
0x7a: {  	_ =	shalt  }
0x7b: {  	_ =	shalt  }
0x7c: {  	_ =	shalt  }
0x7d: {  	_ =	shalt  }
0x7e: {  	_ =	shalt  }
0x7f: {  	_ =	shalt  }
0x80: {  	_ =	shalt  }
0x81: {  	_ =	shalt  }
0x82: {  	_ =	shalt  }
0x83: {  	_ =	shalt  }
0x84: {  	_ =	shalt  }
0x85: {  	_ =	shalt  }
0x86: {  	_ =	shalt  }
0x87: {  	_ =	shalt  }
.Lfunc_end0:
.L_simem_size_0:
called_computation_lowered:
.L_overlay_start_0:
0x88: {  	s2 =	sld [smem:$0x3FD9]  }
0x89: {  	s3 =	sld [smem:$0x3FFE];
	_ =	sdelay $0x1  }
0x8a: {  	s1 =	srdreg.scid  }
0x8b: {  	s0 =	sand.u32 $0x1, s1  }
0x8c: {  	s14 =	sshll.u32 s0, $0xA;
	s2 =	sadd.s32 s3, s2  }
0x8d: {  	s2 =	sadd.s32 s2, s14  }
0x8e: {  	[smem:$0x3FB6] =	sst s2  }
0x8f: {  	_ = 	snop  }
0x90: {  	s2 =	sld [smem:$0x3FD0];
	_ =	sdelay $0x2  }
0x91: {  	s4 =	simm.s32 $0xA;
	s5 =	simm.s32 $0x10;
	s15 =	sld [smem:$0x3FC8]  }
0x92: {  	[smem:s5], [sflag:s4] =	dma.local [hbm:s2], $0x1  }
0x93: {  	_ =	swait.eq [sflag:s4], $0x1  }
0x94: {  	[sflag:s4] =	ssyncset.done $0x0  }
0x95: {  	s16 =	sld [smem:$0x10];
	[sflag:s4] =	ssyncadd.s32 $0xFFFFFFFF  }
0x96: {  	s17 =	sld [smem:$0x11];
	(tm) =	ssettm $0x1  }
0x97: {  	s18 =	sld [smem:$0x3FFB];
	_ =	sdelay $0x3  }
0x98: {  	_ =	strace s18  }
0x99: {  	s5 =	sld [smem:$0x3FFC];
	_ =	sdelay $0x3  }
0x9a: {  	_ =	strace s5  }
0x9b: {  	s5 =	sld [smem:$0x3FFD];
	_ =	sdelay $0x3  }
0x9c: {  	_ =	strace s5  }
0x9d: {  	_ =	strace $0x8FFFFFFF  }
0x9e: {  	s19 =	sld [smem:$0x3FDB];
	_ =	sdelay $0x1  }
0x9f: {  	s6 =	simm.s32 $_scs_section_size  }
0xa0: {  	s7 =	simm.s32 $_size__tile_overlayer_lowered;
	s8 =	simm.s32 $_tile_overlayer_lowered  }
0xa1: {  	s22 =	simm.s32 $0x1BFF;
	s21 =	sshll.u32 s8, $0x1;
	s5 =	sadd.s32 s6, s19  }
0xa2: {  	s9 =	simm.s32 $0x0;
	s20 =	sshll.u32 s7, $0x1;
	s7 =	sadd.s32 s21, s5  }
0xa3: {  	[timem:s9], [sflag:s22] =	dma.local [hbm:s7], s20  }
0xa4: {  	_ =	swait.ge [sflag:s22], s20  }
0xa5: {  	s6 =	ssub.s32 $0x0, s20;
	[sflag:s22] =	ssyncset.done $0x0  }
0xa6: {  	[sflag:s22] =	ssyncadd.s32 s6;
	_ =	sdelay $0x1  }
0xa7: {  	s23 =	simm.s32 $0x1B8B  }
0xa8: {  	_ =	swait.ge [sflag:s23], $0x1  }
0xa9: {  	[sflag:s23] =	ssyncset.done $0x0  }
0xaa: {  	s25 =	simm.s32 $0x1B8E;
	s24 =	sld [smem:$0x3FFE];
	[sflag:s23] =	ssyncadd.s32 $0xFFFFFFFF  }
0xab: {  	s26 =	simm.s32 $execute0_lowered;
	[smem:$0x3FD2] =	sst s25  }
0xac: {  	s7 =	sshll.u32 s26, $0x1;
	_ =	strace $0x80000046;
	[dreg:$0x1] =	wrdreg $0xFFFFFFFF  }
0xad: {  	s28 =	simm.s32 $_size_execute0_lowered;
	s5 =	sadd.s32 s5, s7;
	[dreg:$0x0] =	wrdreg $0x0  }
0xae: {  	s7 =	sshll.u32 s28, $0x1;
	[dreg:$0x2] =	wrdreg s5  }
0xaf: {  	[dreg:$0x3] =	wrdreg s7  }
0xb0: {  	[dreg:$0x4] =	wrdreg $0xC0  }
0xb1: {  	_ =	task [dreg:s9], $0x5FFFF  }
0xb2: {  	[dreg:$0x1] =	wrdreg $0xFFFFFFFF  }
0xb3: {  	[dreg:$0x0] =	wrdreg $0x60  }
0xb4: {  	[dreg:$0x2] =	wrdreg s15  }
0xb5: {  	[dreg:$0x3] =	wrdreg s24  }
0xb6: {  	[dreg:$0x4] =	wrdreg s16  }
0xb7: {  	[dreg:$0x5] =	wrdreg s17  }
0xb8: {  	[dreg:$0x6] =	wrdreg $0x41800  }
0xb9: {  	[dreg:$0x7] =	wrdreg $0x181800  }
0xba: {  	[dreg:$0x8] =	wrdreg $0x9  }
0xbb: {  	_ =	task.clear_ibuf [dreg:s9], $0x9FFFF;
	_ =	strace $0x90000046  }
0xbc: {  	s29 =	simm.s32 $0x9;
	_ =	strace $0x80000048  }
0xbd: {  	_ =	swait.ge [sflag:s29], $0x1  }
0xbe: {  	[sflag:s29] =	ssyncadd.s32 $0xFFFFFFFF  }
0xbf: {  	_ =	strace $0x90000048  }
0xc0: {  	_ =	sfence  }
0xc1: {  	s30 =	sld [smem:$0x0];
	_ =	sdelay $0x2  }
0xc2: {  	s31 =	sshll.u32 s1, $0xD;
	s1 =	sshrl.u32 s1, $0x2  }
0xc3: {  	s3 =	sand.u32 $0x4000, s31;
	s1 =	sadd.s32 s1, s30  }
0xc4: {  	s0 =	sor.u32 s3, s0;
	s1 =	sshll.u32 s1, $0x11  }
0xc5: {  	s0 =	sor.u32 s1, s0  }
0xc6: {  	s0 =	sadd.s32 $0x8F2B, s0  }
0xc7: {  	[sflag:s0] =	ssyncadd.remote.s32 $0x1  }
0xc8: {  	_ =	sfence.sel $0xFFFF  }
0xc9: {  	[dreg:$0x0] =	wrdreg $0xFFFFFFFF;
	(pc) =	sbr.abs _section_cstart, $3  }
0xca: {  	[dreg:$0x1] =	wrdreg $0xFFFFFFFF  }
0xcb: {  	_ =	task.clear_ibuf [dreg:s9], $0x2FFFF;
	_ =	strace $0x9FFFFFFF  }
0xcc: {  	(tm) =	ssettm $0x7FFFFFFF  }
0xcd: {  	_ =	shalt  }
tec
execute0_lowered:
.L_overlay_start_1:
0x0: {  	(tag) =	ssettag $0x1  }
0x1: {  	s12 =	rddreg [dreg:$0x0]  }
0x2: {  	s8 =	rddreg [dreg:$0x1]  }
0x3: {  	s1 =	rddreg [dreg:$0x2]  }
0x4: {  	s10 =	rddreg [dreg:$0x3]  }
0x5: {  	s3 =	rddreg [dreg:$0x4]  }
0x6: {  	s4 =	rddreg [dreg:$0x5]  }
0x7: {  	s0 =	rddreg [dreg:$0x6]  }
0x8: {  	s5 =	simm.s32 $0x0;
	s2 =	stileid.u32;
	s6 =	srdreg.scid  }
0x9: {  	s20 =	simm.s32 $0x0;
	[smem:$0x7FF] =	sst s5;
	s11 =	smul.u32 $0x280, s2  }
0xa: {  	s13 =	sand.u32 $0x1, s6;
	s25 =	sshll.u32 s2, $0x5;
	s9 =	smul.u32 $0x50000, s2  }
0xb: {  	s6 =	sadd.s32 $0x17E00, s8;
	s19 =	smul.u32 $0x14000, s2;
	s28 =	sshll.u32 s2, $0x6  }
0xc: {  	s30 =	sshll.u32 s2, $0xC;
	_ =	strace $0x80000047;
	s7 =	smul.u32 $0x2800, s13  }
0xd: {  	s14 =	sadd.s32 s25, s8;
	s15 =	ssub.s32 $0x2, s13;
	s16 =	smul.u32 $0x140000, s13  }
0xe: {  	s31 =	sshll.u32 s13, $0x4;
	s13 =	sshll.u32 s13, $0xB;
	s18 =	sshrl.u32 s15, $0x1  }
0xf: {  	s9 =	sshrl.u32 s9, $0x2;
	s29 =	sadd.s32 s11, s4;
	s7 =	sadd.s32 s11, s7  }
0x10: {  	s15 =	ssub.s32 s15, s18;
	s16 =	sadd.s32 s19, s16;
	s26 =	sadd.s32 s9, s3  }
0x11: {  	s9 =	sor.u32 $0x1C01, s28;
	s18 =	sshrl.u32 s29, $0x3;
	s19 =	simm.s32 $0x4100  }
0x12: {  	s17 =	sshrl.u32 s7, $0x3;
	s7 =	sadd.s32 $0x17C00, s8;
	s16 =	sshrl.u32 s16, $0x3  }
0x13: {  	s17 =	sadd.s32 s17, s8;
	s8 =	sshll.u32 s2, $0x1;
	s10 =	sadd.s32 s10, s16  }
0x14: {  	s16 =	sadd.s32 s30, s12;
	s12 =	smax.u32 s15, $0x1;
	s11 =	sadd.s32 $0x18000, s17  }
0x15: {  	s17 =	sadd.s32 s31, s14;
	s13 =	sadd.s32 s13, s16;
	s16 =	sshrl.u32 s26, $0x3  }
0x16: {  	s14 =	sadd.s32 $0x4000, s17;
	s15 =	sadd.s32 $0xDE00, s17;
	s17 =	simm.s32 $0x1  }
.LBB2_1:
0x17: {  	[spmem:s16], [sflag:s9] =	dma.local [hbm:s1], $0x2800  }
0x18: {  	_ =	swait.ge [sflag:s17], $0x2800  }
0x19: {  	[sflag:s17] =	ssyncset.done $0x0  }
0x1a: {  	[sflag:s17] =	ssyncadd.s32 $0xFFFFD800  }
0x1b: {  	[spmem:s18], [sflag:s9] =	dma.local [hbm:s6], $0x50  }
0x1c: {  	_ =	swait.ge [sflag:s17], $0x50  }
0x1d: {  	[sflag:s17] =	ssyncset.done $0x0  }
0x1e: {  	[sflag:s17] =	ssyncadd.s32 $0xFFFFFFB0  }
0x1f: {  	[tilespmem:s19], [sflag:$0x1] =	stream.linear.gather [hbm4b:s7+s5], $0x80, $0x38;
	[tilespmem:$0x18400] =	vst v63  }
0x20: {  	_ =	swait.ge [sflag:s17], $0x80  }
0x21: {  	p0 =	sgt.u32 s8, $0x9C3;
	[sflag:s17] =	ssyncset.done $0x0  }
0x22: {  	s21 =	sadd.s32 @!p0 $0x0, s15;
	s22 =	simm.s32 @!p0 $0x0;
	[sflag:s17] =	ssyncadd.s32 $0xFFFFFF80  }
0x23: {  	s23 =	simm.s32 @!p0 $0x4000;
	s24 =	simm.s32 @!p0 $0x2;
	[bflag:$0x0] =	sbarrier.arrive $0xFFFF  }
0x24: {  	[tilespmem:s23], [sflag:$0x2] =	stream.linear.gather @!p0 [hbm4b:s21+s22], $0x80, $0x38;
	[tilespmem:$0x18400] =	vst v63  }
0x25: {  	_ =	swait.ge @!p0 [sflag:s24], $0x80  }
0x26: {  	[sflag:s24] =	ssyncset.done @!p0 $0x0  }
0x27: {  	s25 =	simm.s32 @!p0 $0x4080;
	s21 =	sadd.s32 @!p0 $0x0, s14;
	[sflag:s24] =	ssyncadd.s32 @!p0 $0xFFFFFF80  }
0x28: {  	[tilespmem:s25], [sflag:$0x2] =	stream.linear.gather @!p0 [hbm4b:s21+s22], $0x80, $0x38;
	[tilespmem:$0x18400] =	vst v63  }
0x29: {  	_ =	swait.ge @!p0 [sflag:s24], $0x80;
	p0 =	por p0, p0  }
0x2a: {  	[sflag:s24] =	ssyncset.done @!p0 $0x0  }
0x2b: {  	[sflag:s24] =	ssyncadd.s32 @!p0 $0xFFFFFF80  }
0x2c: {  	[tilespmem:s22], [sflag:$0x2] =	stream.linear.gather @!p0 [hbm4b:s13+s22], $0x4000, $0x38;
	[tilespmem:$0x18400] =	vst v63  }
0x2d: {  	_ =	swait.ge @!p0 [sflag:s24], $0x4000  }
0x2e: {  	[sflag:s24] =	ssyncset.done @!p0 $0x0  }
0x2f: {  	s21 =	simm.s32 @!p0 $0x80;
	[sflag:s24] =	ssyncadd.s32 @!p0 $0xFFFFC000  }
0x30: {  	[spmem:s3] =	stream.indirect.scatter.add.f32 @!p0 [tilespmem:s22], [sflag:$0x2], $0x80, s23, s21, $0xb8;
	[tilespmem:$0x18400] =	vst v63  }
0x31: {  	_ =	swait.ge @!p0 [sflag:s24], $0x4000  }
0x32: {  	[sflag:s24] =	ssyncset.done @!p0 $0x0  }
0x33: {  	s22 =	simm.s32 $0x200;
	s23 =	simm.s32 @!p0 $0x4100;
	[sflag:s24] =	ssyncadd.s32 @!p0 $0xFFFFC000  }
0x34: {  	[spmem:s4] =	stream.indirect.scatter.add.f32 @!p0 [tilespmem:s23], [sflag:$0x1], $0x1, s25, s21, $0xb8;
	[tilespmem:$0x18400] =	vst v63  }
0x35: {  	s24 =	sadd.s32 $0x20, s8;
	s23 =	simm.s32 $0x400;
	s25 =	simm.s32 @!p0 $0x1  }
0x36: {  	p1 =	sgt.u32 s24, $0x9C3;
	s21 =	sadd.s32 $0x10000, s13;
	_ =	swait.ge @!p0 [sflag:s25], $0x80  }
.LBB2_2:
0x37: {  	s26 =	sadd.s32 @!p1 s22, s15;
	s28 =	simm.s32 @!p1 $0x0;
	[sflag:s25] =	ssyncset.done @!p0 $0x0  }
0x38: {  	s29 =	simm.s32 @!p1 $0x4000;
	s30 =	simm.s32 @!p1 $0x2;
	[sflag:s25] =	ssyncadd.s32 @!p0 $0xFFFFFF80  }
0x39: {  	[tilespmem:s29], [sflag:$0x2] =	stream.linear.gather @!p1 [hbm4b:s26+s28], $0x80, $0x38;
	[tilespmem:$0x18400] =	vst v63  }
0x3a: {  	s25 =	smov.u32 s23;
	s23 =	sadd.s32 $0x200, s23;
	_ =	swait.ge @!p1 [sflag:s30], $0x80  }
0x3b: {  	s31 =	simm.s32 @!p1 $0x4080;
	s26 =	sadd.s32 @!p1 s22, s14;
	[sflag:s30] =	ssyncset.done @!p1 $0x0  }
0x3c: {  	p2 =	sne.s32 s23, $0x9E00;
	s22 =	smov.u32 s25;
	[sflag:s30] =	ssyncadd.s32 @!p1 $0xFFFFFF80  }
0x3d: {  	[tilespmem:s31], [sflag:$0x2] =	stream.linear.gather @!p1 [hbm4b:s26+s28], $0x80, $0x38;
	[tilespmem:$0x18400] =	vst v63  }
0x3e: {  	p0 =	por p1, p1;
	_ =	swait.ge @!p1 [sflag:s30], $0x80  }
0x3f: {  	[sflag:s30] =	ssyncset.done @!p0 $0x0  }
0x40: {  	[sflag:s30] =	ssyncadd.s32 @!p0 $0xFFFFFF80  }
0x41: {  	[tilespmem:s28], [sflag:$0x2] =	stream.linear.gather @!p0 [hbm4b:s21+s28], $0x4000, $0x38;
	[tilespmem:$0x18400] =	vst v63  }
0x42: {  	_ =	swait.ge @!p0 [sflag:s30], $0x4000  }
0x43: {  	s26 =	simm.s32 @!p0 $0x80;
	[sflag:s30] =	ssyncset.done @!p0 $0x0  }
0x44: {  	[sflag:s30] =	ssyncadd.s32 @!p0 $0xFFFFC000  }
0x45: {  	[spmem:s3] =	stream.indirect.scatter.add.f32 @!p0 [tilespmem:s28], [sflag:$0x2], $0x80, s29, s26, $0xb8;
	[tilespmem:$0x18400] =	vst v63  }
.Ltmp0:
0x46: {  	_ =	swait.ge @!p0 [sflag:s30], $0x4000;
	(pc) =	sbr.rel @p2 .LBB2_2-.Ltmp0, $4  }
0x47: {  	s28 =	simm.s32 @!p0 $0x4100;
	[sflag:s30] =	ssyncset.done @!p0 $0x0  }
0x48: {  	s24 =	sadd.s32 $0x20, s24;
	s25 =	simm.s32 @!p0 $0x1;
	[sflag:s30] =	ssyncadd.s32 @!p0 $0xFFFFC000  }
0x49: {  	[spmem:s4] =	stream.indirect.scatter.add.f32 @!p0 [tilespmem:s28], [sflag:$0x1], $0x1, s31, s26, $0xb8;
	[tilespmem:$0x18400] =	vst v63  }
0x4a: {  	p1 =	sgt.u32 s24, $0x9C3;
	s21 =	sadd.s32 $0x10000, s21;
	_ =	swait.ge @!p0 [sflag:s25], $0x80  }
0x4b: {  	s23 =	sadd.s32 @!p1 s22, s15;
	s24 =	simm.s32 @!p1 $0x0;
	[sflag:s25] =	ssyncset.done @!p0 $0x0  }
0x4c: {  	s26 =	simm.s32 @!p1 $0x4000;
	s28 =	simm.s32 @!p1 $0x2;
	[sflag:s25] =	ssyncadd.s32 @!p0 $0xFFFFFF80  }
0x4d: {  	[tilespmem:s26], [sflag:$0x2] =	stream.linear.gather @!p1 [hbm4b:s23+s24], $0x80, $0x38;
	[tilespmem:$0x18400] =	vst v63  }
0x4e: {  	_ =	swait.ge @!p1 [sflag:s28], $0x80  }
0x4f: {  	[sflag:s28] =	ssyncset.done @!p1 $0x0  }
0x50: {  	s22 =	sadd.s32 @!p1 s22, s14;
	s23 =	simm.s32 @!p1 $0x4080;
	[sflag:s28] =	ssyncadd.s32 @!p1 $0xFFFFFF80  }
0x51: {  	[tilespmem:s23], [sflag:$0x2] =	stream.linear.gather @!p1 [hbm4b:s22+s24], $0x80, $0x38;
	[tilespmem:$0x18400] =	vst v63  }
0x52: {  	p0 =	por p1, p1;
	_ =	swait.ge @!p1 [sflag:s28], $0x80  }
0x53: {  	[sflag:s28] =	ssyncset.done @!p0 $0x0  }
0x54: {  	[sflag:s28] =	ssyncadd.s32 @!p0 $0xFFFFFF80  }
0x55: {  	[tilespmem:s24], [sflag:$0x2] =	stream.linear.gather @!p0 [hbm4b:s21+s24], $0x4000, $0x38;
	[tilespmem:$0x18400] =	vst v63  }
0x56: {  	_ =	swait.ge @!p0 [sflag:s28], $0x4000  }
0x57: {  	[sflag:s28] =	ssyncset.done @!p0 $0x0  }
0x58: {  	s21 =	simm.s32 @!p0 $0x80;
	[sflag:s28] =	ssyncadd.s32 @!p0 $0xFFFFC000  }
0x59: {  	[spmem:s3] =	stream.indirect.scatter.add.f32 @!p0 [tilespmem:s24], [sflag:$0x2], $0x80, s26, s21, $0xb8;
	[tilespmem:$0x18400] =	vst v63  }
0x5a: {  	_ =	swait.ge @!p0 [sflag:s28], $0x4000  }
0x5b: {  	[sflag:s28] =	ssyncset.done @!p0 $0x0  }
0x5c: {  	s22 =	simm.s32 @!p0 $0x4100;
	s24 =	simm.s32 @!p0 $0x1;
	[sflag:s28] =	ssyncadd.s32 @!p0 $0xFFFFC000  }
0x5d: {  	[spmem:s4] =	stream.indirect.scatter.add.f32 @!p0 [tilespmem:s22], [sflag:$0x1], $0x1, s23, s21, $0xb8;
	[tilespmem:$0x18400] =	vst v63  }
0x5e: {  	_ =	swait.ge @!p0 [sflag:s24], $0x80  }
0x5f: {  	[sflag:s24] =	ssyncset.done @!p0 $0x0  }
0x60: {  	[sflag:s24] =	ssyncadd.s32 @!p0 $0xFFFFFF80  }
0x61: {  	[bflag:$0x0] =	sbarrier.arrive $0xFFFF  }
0x62: {  	[hbm:s10], [sflag:s9] =	dma.local [spmem:s16], $0x2800  }
0x63: {  	s20 =	sadd.s32 $0x1, s20;
	_ =	swait.ge [sflag:s17], $0x2800  }
0x64: {  	p0 =	sne.s32 s20, s12;
	[sflag:s17] =	ssyncset.done $0x0  }
.Ltmp1:
0x65: {  	[sflag:s17] =	ssyncadd.s32 $0xFFFFD800;
	(pc) =	sbr.rel @p0 .LBB2_1-.Ltmp1, $4  }
0x66: {  	[hbm:s11], [sflag:s9] =	dma.local [spmem:s18], $0x50  }
0x67: {  	_ =	swait.ge [sflag:s17], $0x50  }
0x68: {  	[sflag:s17] =	ssyncset.done $0x0  }
0x69: {  	[sflag:s17] =	ssyncadd.s32 $0xFFFFFFB0  }
0x6a: {  	_ =	sfence.sel $0x180000  }
0x6b: {  	[bflag:$0x0] =	sbarrier.arrive $0xFFFF  }
0x6c: {  	p0 =	sne.s32 s2, $0x0;
	_ =	strace $0x90000047  }
0x6d: {  	s0 =	sadd.s32 @!p0 $0x100000, s0;
	[bflag:$0x2] =	sbarrier.arrive $0xFFFF  }
0x6e: {  	[sflag:s0] =	ssyncadd.tile.s32 @!p0 $0x1;
	_ =	shalt  }
.Lfunc_end2:
_tile_overlayer_lowered:
.L_overlay_start_2:
0x6f: {  	(tag) =	ssettag $0x2  }
0x70: {  	s0 =	rddreg [dreg:$0x0];
	s2 =	stileid.u32  }
0x71: {  	s1 =	rddreg [dreg:$0x1];
	p0 =	sne.s32 s2, $0x0  }
0x72: {  	s3 =	rddreg [dreg:$0x2];
	[bflag:$0x3] =	sbarrier.arrive $0xFFFF;
	s2 =	simm.s32 @!p0 $0x1C01  }
0x73: {  	[timem:s3], [sflag:s2] =	dma.local @!p0 [hbm:s0], s1  }
0x74: {  	s0 =	simm.s32 @!p0 $0x1  }
0x75: {  	_ =	swait.ge @!p0 [sflag:s0], s1  }
0x76: {  	s1 =	ssub.s32 @!p0 $0x0, s1;
	[sflag:s0] =	ssyncset.done @!p0 $0x0  }
0x77: {  	[sflag:s0] =	ssyncadd.s32 @!p0 s1  }
0x78: {  	[bflag:$0x3] =	sbarrier.arrive $0xFFFF  }
0x79: {  	_ =	shalt  }

</sc_bundles>
